<compile_context>
chip_gen: v7x
topology: tpu7x:2x2x1
jax: 0.10.2.dev20260603
libtpu: 0.0.44.dev20260713+nightly
codegen_flags: <defaults>
</compile_context>

<pallas_src>
import jax
import jax.numpy as jnp
from jax import lax
from jax.experimental import pallas as pl
from jax.experimental.pallas import tpu as pltpu
from jax.experimental.pallas import tpu_sc as plsc

BATCH = 16384
EMBED_DIM = 64
ROW_PAD = 128
NUM_CORES = 2
NUM_SUBCORES = 16
NUM_WORKERS = NUM_CORES * NUM_SUBCORES
B_PER_W = BATCH // NUM_WORKERS
HALF = B_PER_W // 4
LANES = 16
VECS_PER_ROW = EMBED_DIM // LANES


def _body(node_hbm, rel_hbm, head_hbm, relids_hbm, tail_hbm, out_hbm,
          vidx_h, vidx_r, vidx_t,
          h_buf, r_buf, t_buf, o_buf,
          sem_h, sem_r, sem_t):
    wid = lax.axis_index("s") * NUM_CORES + lax.axis_index("c")
    base = wid * B_PER_W

    pltpu.sync_copy(head_hbm.at[pl.ds(base, B_PER_W)],
                    vidx_h.at[pl.ds(0, B_PER_W)])
    pltpu.sync_copy(relids_hbm.at[pl.ds(base, B_PER_W)],
                    vidx_r.at[pl.ds(0, B_PER_W)])
    pltpu.sync_copy(tail_hbm.at[pl.ds(base, B_PER_W)],
                    vidx_t.at[pl.ds(0, B_PER_W)])

    for half in range(4):
        off = half * HALF

        def issue_body(i, carry):
            hid = vidx_h[pl.ds(off + i, LANES)][0]
            rid = vidx_r[pl.ds(off + i, LANES)][0]
            tid = vidx_t[pl.ds(off + i, LANES)][0]
            pltpu.async_copy(node_hbm.at[pl.ds(hid, 1)],
                             h_buf.at[pl.ds(i, 1)], sem_h)
            pltpu.async_copy(rel_hbm.at[pl.ds(rid, 1)],
                             r_buf.at[pl.ds(i, 1)], sem_r)
            pltpu.async_copy(node_hbm.at[pl.ds(tid, 1)],
                             t_buf.at[pl.ds(i, 1)], sem_t)
            return carry

        lax.fori_loop(0, HALF, issue_body, 0)

        pltpu.make_async_copy(node_hbm.at[pl.ds(0, HALF)], h_buf,
                              sem_h).wait()
        pltpu.make_async_copy(rel_hbm.at[pl.ds(0, HALF)], r_buf,
                              sem_r).wait()
        pltpu.make_async_copy(node_hbm.at[pl.ds(0, HALF)], t_buf,
                              sem_t).wait()

        def row_body(i, carry):
            for j in range(VECS_PER_ROW):
                sl = pl.ds(j * LANES, LANES)
                o_buf[i, sl] = h_buf[i, sl] + r_buf[i, sl] + t_buf[i, sl]
            return carry

        lax.fori_loop(0, HALF, row_body, 0)

        pltpu.sync_copy(o_buf, out_hbm.at[pl.ds(base + off, HALF)])


@jax.jit
def kernel(head_ids, rel_ids, tail_ids, node_embeddings, rel_weight):
    mesh = plsc.VectorSubcoreMesh(core_axis_name="c", subcore_axis_name="s",
                                  num_cores=NUM_CORES,
                                  num_subcores=NUM_SUBCORES)
    k = pl.kernel(
        _body,
        out_type=jax.ShapeDtypeStruct((BATCH, ROW_PAD), jnp.float32),
        mesh=mesh,
        compiler_params=pltpu.CompilerParams(needs_layout_passes=False),
        scratch_types=[
            pltpu.VMEM((B_PER_W + LANES,), jnp.int32),
            pltpu.VMEM((B_PER_W + LANES,), jnp.int32),
            pltpu.VMEM((B_PER_W + LANES,), jnp.int32),
            pltpu.VMEM((HALF, EMBED_DIM), jnp.float32),
            pltpu.VMEM((HALF, EMBED_DIM), jnp.float32),
            pltpu.VMEM((HALF, EMBED_DIM), jnp.float32),
            pltpu.VMEM((HALF, ROW_PAD), jnp.float32),
            pltpu.SemaphoreType.DMA,
            pltpu.SemaphoreType.DMA,
            pltpu.SemaphoreType.DMA,
        ],
    )
    out_pad = k(node_embeddings, rel_weight, head_ids, rel_ids, tail_ids)
    return out_pad[:, :EMBED_DIM]

# --- scband reference (transcript-rebuilt; emitter-appended) ---
"""Pipeline reference for scband-triple-embedder-14602888807175 (READ-ONLY COPY).

The authoritative reference and input builder live on the scoring server;
editing this copy changes nothing except your own understanding.
"""

import jax, jax.numpy as jnp
import numpy as np

NUM_NODES = 1000000
NUM_RELS = 1000
EMBED_DIM = 64
BATCH = 16384

def setup_inputs(seed: int = 0) -> dict:
    key = jax.random.key(seed)
    k1, k2, k3, k4, k5 = jax.random.split(key, 5)
    head_ids = jax.random.randint(k1, (BATCH,), 0, NUM_NODES, dtype=jnp.int64 if jax.config.jax_enable_x64 else jnp.int32).astype(jnp.int32)
    rel_ids = jax.random.randint(k2, (BATCH,), 0, NUM_RELS).astype(jnp.int32)
    tail_ids = jax.random.randint(k3, (BATCH,), 0, NUM_NODES).astype(jnp.int32)
    node_embeddings = jax.random.normal(k4, (NUM_NODES, EMBED_DIM), dtype=jnp.float32)
    rel_weight = jax.random.normal(k5, (NUM_RELS, EMBED_DIM), dtype=jnp.float32)
    return {"head_ids": head_ids, "rel_ids": rel_ids, "tail_ids": tail_ids, "node_embeddings": node_embeddings, "rel_weight": rel_weight}

def reference(head_ids, rel_ids, tail_ids, node_embeddings, rel_weight):
    # h = node_embeddings[head_ids]
    h = jnp.take(node_embeddings, head_ids, axis=0)
    # r = self.rel_embed(rel_ids)  -> embedding lookup into rel_weight
    r = jnp.take(rel_weight, rel_ids, axis=0)
    # t = node_embeddings[tail_ids]
    t = jnp.take(node_embeddings, tail_ids, axis=0)
    triple_embed = h + r + t
    return triple_embed

if __name__ == "__main__":
    import jax
    _d = setup_inputs()
    print(jax.jit(kernel)(*tuple(_d.values())))

</pallas_src>

<mosaic_0001>
#map = affine_map<(d0, d1) -> (0, 0)>
#map1 = affine_map<(d0, d1) -> (0)>
module attributes {stable_mosaic.version = 14 : i64} {
  func.func @_body(%arg0: i32, %arg1: i32, %arg2: memref<1000000x64xf32, #tpu.memory_space<hbm>>, %arg3: memref<1000x64xf32, #tpu.memory_space<hbm>>, %arg4: memref<16384xi32, #tpu.memory_space<hbm>>, %arg5: memref<16384xi32, #tpu.memory_space<hbm>>, %arg6: memref<16384xi32, #tpu.memory_space<hbm>>, %arg7: memref<16384x128xf32, #tpu.memory_space<hbm>>, %arg8: memref<528xi32, #tpu.memory_space<vmem>>, %arg9: memref<528xi32, #tpu.memory_space<vmem>>, %arg10: memref<528xi32, #tpu.memory_space<vmem>>, %arg11: memref<128x64xf32, #tpu.memory_space<vmem>>, %arg12: memref<128x64xf32, #tpu.memory_space<vmem>>, %arg13: memref<128x64xf32, #tpu.memory_space<vmem>>, %arg14: memref<128x128xf32, #tpu.memory_space<vmem>>, %arg15: memref<!tpu.dma_semaphore, #tpu.memory_space<semaphore_mem>>, %arg16: memref<!tpu.dma_semaphore, #tpu.memory_space<semaphore_mem>>, %arg17: memref<!tpu.dma_semaphore, #tpu.memory_space<semaphore_mem>>) attributes {dimension_semantics = [#tpu.dimension_semantics<core_parallel>, #tpu.dimension_semantics<subcore_parallel>], iteration_bounds = array<i64: 2, 16>, scalar_prefetch = 0 : i64, scratch_operands = 10 : i64, tpu.core_type = #tpu.core_type<sc_vector_subcore>, window_params = [{transform_indices = #map}, {transform_indices = #map}, {transform_indices = #map1}, {transform_indices = #map1}, {transform_indices = #map1}, {transform_indices = #map}]} {
    %mul3A = arith.constant 2 : i32
    %mul3A_0 = arith.muli %arg1, %mul3A : i32
    %add3A = arith.addi %mul3A_0, %arg0 : i32
    %mul3A_1 = arith.constant 512 : i32
    %mul3A_2 = arith.muli %add3A, %mul3A_1 : i32
    "tpu.region"() ({
      %run_scoped3A = tpu.sem_alloc : memref<!tpu.dma_semaphore, #tpu.memory_space<semaphore_mem>>
      %dma_start3A = arith.constant 0 : i32
      %dma_start3A_129 = tpu.memref_slice %arg8[%dma_start3A] : memref<528xi32, #tpu.memory_space<vmem>> -> memref<512xi32, #tpu.memory_space<vmem>>
      %dma_start3A_130 = tpu.memref_slice %arg4[%mul3A_2] : memref<16384xi32, #tpu.memory_space<hbm>> -> memref<512xi32, #tpu.memory_space<hbm>>
      %dma_start3A_131 = arith.constant 0 : i32
      %dma_start3A_132 = tpu.memref_slice %arg8[%dma_start3A_131] : memref<528xi32, #tpu.memory_space<vmem>> -> memref<512xi32, #tpu.memory_space<vmem>>
      %dma_start3A_133 = tpu.memref_slice %arg4[%mul3A_2] : memref<16384xi32, #tpu.memory_space<hbm>> -> memref<512xi32, #tpu.memory_space<hbm>>
      tpu.enqueue_dma source(%dma_start3A_133 : memref<512xi32, #tpu.memory_space<hbm>>) target(%dma_start3A_132 : memref<512xi32, #tpu.memory_space<vmem>>) target_semaphore(%run_scoped3A : memref<!tpu.dma_semaphore, #tpu.memory_space<semaphore_mem>>)
      %dma_wait3A_134 = arith.constant 0 : i32
      %dma_wait3A_135 = tpu.memref_slice %arg8[%dma_wait3A_134] : memref<528xi32, #tpu.memory_space<vmem>> -> memref<512xi32, #tpu.memory_space<vmem>>
      %dma_wait3A_136 = tpu.memref_slice %arg4[%mul3A_2] : memref<16384xi32, #tpu.memory_space<hbm>> -> memref<512xi32, #tpu.memory_space<hbm>>
      %dma_wait3A_137 = arith.constant 0 : i32
      %dma_wait3A_138 = tpu.memref_slice %arg8[%dma_wait3A_137] : memref<528xi32, #tpu.memory_space<vmem>> -> memref<512xi32, #tpu.memory_space<vmem>>
      %dma_wait3A_139 = tpu.memref_slice %arg4[%mul3A_2] : memref<16384xi32, #tpu.memory_space<hbm>> -> memref<512xi32, #tpu.memory_space<hbm>>
      tpu.wait_dma2 semaphore(%run_scoped3A : memref<!tpu.dma_semaphore, #tpu.memory_space<semaphore_mem>>) src(%dma_wait3A_139 : memref<512xi32, #tpu.memory_space<hbm>>) dst(%dma_wait3A_138 : memref<512xi32, #tpu.memory_space<vmem>>)
      tpu.yield
    }) : () -> ()
    "tpu.region"() ({
      %run_scoped3A = tpu.sem_alloc : memref<!tpu.dma_semaphore, #tpu.memory_space<semaphore_mem>>
      %dma_start3A = arith.constant 0 : i32
      %dma_start3A_129 = tpu.memref_slice %arg9[%dma_start3A] : memref<528xi32, #tpu.memory_space<vmem>> -> memref<512xi32, #tpu.memory_space<vmem>>
      %dma_start3A_130 = tpu.memref_slice %arg5[%mul3A_2] : memref<16384xi32, #tpu.memory_space<hbm>> -> memref<512xi32, #tpu.memory_space<hbm>>
      %dma_start3A_131 = arith.constant 0 : i32
      %dma_start3A_132 = tpu.memref_slice %arg9[%dma_start3A_131] : memref<528xi32, #tpu.memory_space<vmem>> -> memref<512xi32, #tpu.memory_space<vmem>>
      %dma_start3A_133 = tpu.memref_slice %arg5[%mul3A_2] : memref<16384xi32, #tpu.memory_space<hbm>> -> memref<512xi32, #tpu.memory_space<hbm>>
      tpu.enqueue_dma source(%dma_start3A_133 : memref<512xi32, #tpu.memory_space<hbm>>) target(%dma_start3A_132 : memref<512xi32, #tpu.memory_space<vmem>>) target_semaphore(%run_scoped3A : memref<!tpu.dma_semaphore, #tpu.memory_space<semaphore_mem>>)
      %dma_wait3A_134 = arith.constant 0 : i32
      %dma_wait3A_135 = tpu.memref_slice %arg9[%dma_wait3A_134] : memref<528xi32, #tpu.memory_space<vmem>> -> memref<512xi32, #tpu.memory_space<vmem>>
      %dma_wait3A_136 = tpu.memref_slice %arg5[%mul3A_2] : memref<16384xi32, #tpu.memory_space<hbm>> -> memref<512xi32, #tpu.memory_space<hbm>>
      %dma_wait3A_137 = arith.constant 0 : i32
      %dma_wait3A_138 = tpu.memref_slice %arg9[%dma_wait3A_137] : memref<528xi32, #tpu.memory_space<vmem>> -> memref<512xi32, #tpu.memory_space<vmem>>
      %dma_wait3A_139 = tpu.memref_slice %arg5[%mul3A_2] : memref<16384xi32, #tpu.memory_space<hbm>> -> memref<512xi32, #tpu.memory_space<hbm>>
      tpu.wait_dma2 semaphore(%run_scoped3A : memref<!tpu.dma_semaphore, #tpu.memory_space<semaphore_mem>>) src(%dma_wait3A_139 : memref<512xi32, #tpu.memory_space<hbm>>) dst(%dma_wait3A_138 : memref<512xi32, #tpu.memory_space<vmem>>)
      tpu.yield
    }) : () -> ()
    "tpu.region"() ({
      %run_scoped3A = tpu.sem_alloc : memref<!tpu.dma_semaphore, #tpu.memory_space<semaphore_mem>>
      %dma_start3A = arith.constant 0 : i32
      %dma_start3A_129 = tpu.memref_slice %arg10[%dma_start3A] : memref<528xi32, #tpu.memory_space<vmem>> -> memref<512xi32, #tpu.memory_space<vmem>>
      %dma_start3A_130 = tpu.memref_slice %arg6[%mul3A_2] : memref<16384xi32, #tpu.memory_space<hbm>> -> memref<512xi32, #tpu.memory_space<hbm>>
      %dma_start3A_131 = arith.constant 0 : i32
      %dma_start3A_132 = tpu.memref_slice %arg10[%dma_start3A_131] : memref<528xi32, #tpu.memory_space<vmem>> -> memref<512xi32, #tpu.memory_space<vmem>>
      %dma_start3A_133 = tpu.memref_slice %arg6[%mul3A_2] : memref<16384xi32, #tpu.memory_space<hbm>> -> memref<512xi32, #tpu.memory_space<hbm>>
      tpu.enqueue_dma source(%dma_start3A_133 : memref<512xi32, #tpu.memory_space<hbm>>) target(%dma_start3A_132 : memref<512xi32, #tpu.memory_space<vmem>>) target_semaphore(%run_scoped3A : memref<!tpu.dma_semaphore, #tpu.memory_space<semaphore_mem>>)
      %dma_wait3A_134 = arith.constant 0 : i32
      %dma_wait3A_135 = tpu.memref_slice %arg10[%dma_wait3A_134] : memref<528xi32, #tpu.memory_space<vmem>> -> memref<512xi32, #tpu.memory_space<vmem>>
      %dma_wait3A_136 = tpu.memref_slice %arg6[%mul3A_2] : memref<16384xi32, #tpu.memory_space<hbm>> -> memref<512xi32, #tpu.memory_space<hbm>>
      %dma_wait3A_137 = arith.constant 0 : i32
      %dma_wait3A_138 = tpu.memref_slice %arg10[%dma_wait3A_137] : memref<528xi32, #tpu.memory_space<vmem>> -> memref<512xi32, #tpu.memory_space<vmem>>
      %dma_wait3A_139 = tpu.memref_slice %arg6[%mul3A_2] : memref<16384xi32, #tpu.memory_space<hbm>> -> memref<512xi32, #tpu.memory_space<hbm>>
      tpu.wait_dma2 semaphore(%run_scoped3A : memref<!tpu.dma_semaphore, #tpu.memory_space<semaphore_mem>>) src(%dma_wait3A_139 : memref<512xi32, #tpu.memory_space<hbm>>) dst(%dma_wait3A_138 : memref<512xi32, #tpu.memory_space<vmem>>)
      tpu.yield
    }) : () -> ()
    %scan3A = arith.constant 0 : i32
    %scan3A_3 = arith.constant 0 : i32
    %scan3A_4 = arith.constant 128 : i32
    %scan3A_5 = arith.addi %scan3A_3, %scan3A_4 : i32
    %scan3A_6 = arith.constant 1 : i32
    scf.for %scan3A_129 = %scan3A_3 to %scan3A_5 step %scan3A_6  : i32 {
      %add3A_130 = arith.constant 0 : i32
      %add3A_131 = arith.addi %add3A_130, %scan3A_129 : i32
      %get3A = arith.index_cast %add3A_131 : i32 to index
      %get3A_132 = tpu.vector_load %arg8[%get3A] {strides = array<i32>} : memref<528xi32, #tpu.memory_space<vmem>>, vector<16xi32>,
      %slice3A = vector.extract_strided_slice %get3A_132 {offsets = [0], sizes = [1], strides = [1]} : vector<16xi32> to vector<1xi32>
      %squeeze3A = vector.extract %slice3A[0] : i32 from vector<1xi32>
      %add3A_133 = arith.constant 0 : i32
      %add3A_134 = arith.addi %add3A_133, %scan3A_129 : i32
      %get3A_135 = arith.index_cast %add3A_134 : i32 to index
      %get3A_136 = tpu.vector_load %arg9[%get3A_135] {strides = array<i32>} : memref<528xi32, #tpu.memory_space<vmem>>, vector<16xi32>,
      %slice3A_137 = vector.extract_strided_slice %get3A_136 {offsets = [0], sizes = [1], strides = [1]} : vector<16xi32> to vector<1xi32>
      %squeeze3A_138 = vector.extract %slice3A_137[0] : i32 from vector<1xi32>
      %add3A_139 = arith.constant 0 : i32
      %add3A_140 = arith.addi %add3A_139, %scan3A_129 : i32
      %get3A_141 = arith.index_cast %add3A_140 : i32 to index
      %get3A_142 = tpu.vector_load %arg10[%get3A_141] {strides = array<i32>} : memref<528xi32, #tpu.memory_space<vmem>>, vector<16xi32>,
      %slice3A_143 = vector.extract_strided_slice %get3A_142 {offsets = [0], sizes = [1], strides = [1]} : vector<16xi32> to vector<1xi32>
      %squeeze3A_144 = vector.extract %slice3A_143[0] : i32 from vector<1xi32>
      %dma_start3A = arith.constant 0 : i32
      %dma_start3A_145 = tpu.memref_slice %arg11[%scan3A_129, %dma_start3A] : memref<128x64xf32, #tpu.memory_space<vmem>> -> memref<1x64xf32, #tpu.memory_space<vmem>>
      %dma_start3A_146 = arith.constant 0 : i32
      %dma_start3A_147 = tpu.memref_slice %arg2[%squeeze3A, %dma_start3A_146] : memref<1000000x64xf32, #tpu.memory_space<hbm>> -> memref<1x64xf32, #tpu.memory_space<hbm>>
      %dma_start3A_148 = arith.constant 0 : i32
      %dma_start3A_149 = tpu.memref_slice %arg11[%scan3A_129, %dma_start3A_148] : memref<128x64xf32, #tpu.memory_space<vmem>> -> memref<1x64xf32, #tpu.memory_space<vmem>>
      %dma_start3A_150 = arith.constant 0 : i32
      %dma_start3A_151 = tpu.memref_slice %arg2[%squeeze3A, %dma_start3A_150] : memref<1000000x64xf32, #tpu.memory_space<hbm>> -> memref<1x64xf32, #tpu.memory_space<hbm>>
      tpu.enqueue_dma source(%dma_start3A_151 : memref<1x64xf32, #tpu.memory_space<hbm>>) target(%dma_start3A_149 : memref<1x64xf32, #tpu.memory_space<vmem>>) target_semaphore(%arg15 : memref<!tpu.dma_semaphore, #tpu.memory_space<semaphore_mem>>)
      %dma_start3A_152 = arith.constant 0 : i32
      %dma_start3A_153 = tpu.memref_slice %arg12[%scan3A_129, %dma_start3A_152] : memref<128x64xf32, #tpu.memory_space<vmem>> -> memref<1x64xf32, #tpu.memory_space<vmem>>
      %dma_start3A_154 = arith.constant 0 : i32
      %dma_start3A_155 = tpu.memref_slice %arg3[%squeeze3A_138, %dma_start3A_154] : memref<1000x64xf32, #tpu.memory_space<hbm>> -> memref<1x64xf32, #tpu.memory_space<hbm>>
      %dma_start3A_156 = arith.constant 0 : i32
      %dma_start3A_157 = tpu.memref_slice %arg12[%scan3A_129, %dma_start3A_156] : memref<128x64xf32, #tpu.memory_space<vmem>> -> memref<1x64xf32, #tpu.memory_space<vmem>>
      %dma_start3A_158 = arith.constant 0 : i32
      %dma_start3A_159 = tpu.memref_slice %arg3[%squeeze3A_138, %dma_start3A_158] : memref<1000x64xf32, #tpu.memory_space<hbm>> -> memref<1x64xf32, #tpu.memory_space<hbm>>
      tpu.enqueue_dma source(%dma_start3A_159 : memref<1x64xf32, #tpu.memory_space<hbm>>) target(%dma_start3A_157 : memref<1x64xf32, #tpu.memory_space<vmem>>) target_semaphore(%arg16 : memref<!tpu.dma_semaphore, #tpu.memory_space<semaphore_mem>>)
      %dma_start3A_160 = arith.constant 0 : i32
      %dma_start3A_161 = tpu.memref_slice %arg13[%scan3A_129, %dma_start3A_160] : memref<128x64xf32, #tpu.memory_space<vmem>> -> memref<1x64xf32, #tpu.memory_space<vmem>>
      %dma_start3A_162 = arith.constant 0 : i32
      %dma_start3A_163 = tpu.memref_slice %arg2[%squeeze3A_144, %dma_start3A_162] : memref<1000000x64xf32, #tpu.memory_space<hbm>> -> memref<1x64xf32, #tpu.memory_space<hbm>>
      %dma_start3A_164 = arith.constant 0 : i32
      %dma_start3A_165 = tpu.memref_slice %arg13[%scan3A_129, %dma_start3A_164] : memref<128x64xf32, #tpu.memory_space<vmem>> -> memref<1x64xf32, #tpu.memory_space<vmem>>
      %dma_start3A_166 = arith.constant 0 : i32
      %dma_start3A_167 = tpu.memref_slice %arg2[%squeeze3A_144, %dma_start3A_166] : memref<1000000x64xf32, #tpu.memory_space<hbm>> -> memref<1x64xf32, #tpu.memory_space<hbm>>
      tpu.enqueue_dma source(%dma_start3A_167 : memref<1x64xf32, #tpu.memory_space<hbm>>) target(%dma_start3A_165 : memref<1x64xf32, #tpu.memory_space<vmem>>) target_semaphore(%arg17 : memref<!tpu.dma_semaphore, #tpu.memory_space<semaphore_mem>>)
    }
    %scan3A_7 = arith.constant 128 : i32
    %dma_wait3A = arith.constant 0 : i32
    %dma_wait3A_8 = arith.constant 0 : i32
    %dma_wait3A_9 = tpu.memref_slice %arg2[%dma_wait3A, %dma_wait3A_8] : memref<1000000x64xf32, #tpu.memory_space<hbm>> -> memref<128x64xf32, #tpu.memory_space<hbm>>
    %dma_wait3A_10 = arith.constant 0 : i32
    %dma_wait3A_11 = arith.constant 0 : i32
    %dma_wait3A_12 = tpu.memref_slice %arg2[%dma_wait3A_10, %dma_wait3A_11] : memref<1000000x64xf32, #tpu.memory_space<hbm>> -> memref<128x64xf32, #tpu.memory_space<hbm>>
    tpu.wait_dma2 semaphore(%arg15 : memref<!tpu.dma_semaphore, #tpu.memory_space<semaphore_mem>>) src(%dma_wait3A_12 : memref<128x64xf32, #tpu.memory_space<hbm>>) dst(%arg11 : memref<128x64xf32, #tpu.memory_space<vmem>>)
    %dma_wait3A_13 = arith.constant 0 : i32
    %dma_wait3A_14 = arith.constant 0 : i32
    %dma_wait3A_15 = tpu.memref_slice %arg3[%dma_wait3A_13, %dma_wait3A_14] : memref<1000x64xf32, #tpu.memory_space<hbm>> -> memref<128x64xf32, #tpu.memory_space<hbm>>
    %dma_wait3A_16 = arith.constant 0 : i32
    %dma_wait3A_17 = arith.constant 0 : i32
    %dma_wait3A_18 = tpu.memref_slice %arg3[%dma_wait3A_16, %dma_wait3A_17] : memref<1000x64xf32, #tpu.memory_space<hbm>> -> memref<128x64xf32, #tpu.memory_space<hbm>>
    tpu.wait_dma2 semaphore(%arg16 : memref<!tpu.dma_semaphore, #tpu.memory_space<semaphore_mem>>) src(%dma_wait3A_18 : memref<128x64xf32, #tpu.memory_space<hbm>>) dst(%arg12 : memref<128x64xf32, #tpu.memory_space<vmem>>)
    %dma_wait3A_19 = arith.constant 0 : i32
    %dma_wait3A_20 = arith.constant 0 : i32
    %dma_wait3A_21 = tpu.memref_slice %arg2[%dma_wait3A_19, %dma_wait3A_20] : memref<1000000x64xf32, #tpu.memory_space<hbm>> -> memref<128x64xf32, #tpu.memory_space<hbm>>
    %dma_wait3A_22 = arith.constant 0 : i32
    %dma_wait3A_23 = arith.constant 0 : i32
    %dma_wait3A_24 = tpu.memref_slice %arg2[%dma_wait3A_22, %dma_wait3A_23] : memref<1000000x64xf32, #tpu.memory_space<hbm>> -> memref<128x64xf32, #tpu.memory_space<hbm>>
    tpu.wait_dma2 semaphore(%arg17 : memref<!tpu.dma_semaphore, #tpu.memory_space<semaphore_mem>>) src(%dma_wait3A_24 : memref<128x64xf32, #tpu.memory_space<hbm>>) dst(%arg13 : memref<128x64xf32, #tpu.memory_space<vmem>>)
    %scan3A_25 = arith.constant 0 : i32
    %scan3A_26 = arith.constant 0 : i32
    %scan3A_27 = arith.constant 128 : i32
    %scan3A_28 = arith.addi %scan3A_26, %scan3A_27 : i32
    %scan3A_29 = arith.constant 1 : i32
    scf.for %scan3A_129 = %scan3A_26 to %scan3A_28 step %scan3A_29  : i32 {
      %get3A = arith.index_cast %scan3A_129 : i32 to index
      %get3A_130 = arith.constant 0 : index
      %get3A_131 = tpu.vector_load %arg11[%get3A, %get3A_130] {strides = array<i32>} : memref<128x64xf32, #tpu.memory_space<vmem>>, vector<16xf32>,
      %get3A_132 = arith.index_cast %scan3A_129 : i32 to index
      %get3A_133 = arith.constant 0 : index
      %get3A_134 = tpu.vector_load %arg12[%get3A_132, %get3A_133] {strides = array<i32>} : memref<128x64xf32, #tpu.memory_space<vmem>>, vector<16xf32>,
      %add3A_135 = arith.addf %get3A_131, %get3A_134 : vector<16xf32>
      %get3A_136 = arith.index_cast %scan3A_129 : i32 to index
      %get3A_137 = arith.constant 0 : index
      %get3A_138 = tpu.vector_load %arg13[%get3A_136, %get3A_137] {strides = array<i32>} : memref<128x64xf32, #tpu.memory_space<vmem>>, vector<16xf32>,
      %add3A_139 = arith.addf %add3A_135, %get3A_138 : vector<16xf32>
      %swap3A = arith.index_cast %scan3A_129 : i32 to index
      %swap3A_140 = arith.constant 0 : index
      %swap3A_141 = tpu.vector_load %arg14[%swap3A, %swap3A_140] {strides = array<i32>} : memref<128x128xf32, #tpu.memory_space<vmem>>, vector<16xf32>,
      tpu.vector_store %arg14[%swap3A, %swap3A_140], %add3A_139 {strides = array<i32>} : memref<128x128xf32, #tpu.memory_space<vmem>>, vector<16xf32>,
      %get3A_142 = arith.index_cast %scan3A_129 : i32 to index
      %get3A_143 = arith.constant 16 : index
      %get3A_144 = tpu.vector_load %arg11[%get3A_142, %get3A_143] {strides = array<i32>} : memref<128x64xf32, #tpu.memory_space<vmem>>, vector<16xf32>,
      %get3A_145 = arith.index_cast %scan3A_129 : i32 to index
      %get3A_146 = arith.constant 16 : index
      %get3A_147 = tpu.vector_load %arg12[%get3A_145, %get3A_146] {strides = array<i32>} : memref<128x64xf32, #tpu.memory_space<vmem>>, vector<16xf32>,
      %add3A_148 = arith.addf %get3A_144, %get3A_147 : vector<16xf32>
      %get3A_149 = arith.index_cast %scan3A_129 : i32 to index
      %get3A_150 = arith.constant 16 : index
      %get3A_151 = tpu.vector_load %arg13[%get3A_149, %get3A_150] {strides = array<i32>} : memref<128x64xf32, #tpu.memory_space<vmem>>, vector<16xf32>,
      %add3A_152 = arith.addf %add3A_148, %get3A_151 : vector<16xf32>
      %swap3A_153 = arith.index_cast %scan3A_129 : i32 to index
      %swap3A_154 = arith.constant 16 : index
      %swap3A_155 = tpu.vector_load %arg14[%swap3A_153, %swap3A_154] {strides = array<i32>} : memref<128x128xf32, #tpu.memory_space<vmem>>, vector<16xf32>,
      tpu.vector_store %arg14[%swap3A_153, %swap3A_154], %add3A_152 {strides = array<i32>} : memref<128x128xf32, #tpu.memory_space<vmem>>, vector<16xf32>,
      %get3A_156 = arith.index_cast %scan3A_129 : i32 to index
      %get3A_157 = arith.constant 32 : index
      %get3A_158 = tpu.vector_load %arg11[%get3A_156, %get3A_157] {strides = array<i32>} : memref<128x64xf32, #tpu.memory_space<vmem>>, vector<16xf32>,
      %get3A_159 = arith.index_cast %scan3A_129 : i32 to index
      %get3A_160 = arith.constant 32 : index
      %get3A_161 = tpu.vector_load %arg12[%get3A_159, %get3A_160] {strides = array<i32>} : memref<128x64xf32, #tpu.memory_space<vmem>>, vector<16xf32>,
      %add3A_162 = arith.addf %get3A_158, %get3A_161 : vector<16xf32>
      %get3A_163 = arith.index_cast %scan3A_129 : i32 to index
      %get3A_164 = arith.constant 32 : index
      %get3A_165 = tpu.vector_load %arg13[%get3A_163, %get3A_164] {strides = array<i32>} : memref<128x64xf32, #tpu.memory_space<vmem>>, vector<16xf32>,
      %add3A_166 = arith.addf %add3A_162, %get3A_165 : vector<16xf32>
      %swap3A_167 = arith.index_cast %scan3A_129 : i32 to index
      %swap3A_168 = arith.constant 32 : index
      %swap3A_169 = tpu.vector_load %arg14[%swap3A_167, %swap3A_168] {strides = array<i32>} : memref<128x128xf32, #tpu.memory_space<vmem>>, vector<16xf32>,
      tpu.vector_store %arg14[%swap3A_167, %swap3A_168], %add3A_166 {strides = array<i32>} : memref<128x128xf32, #tpu.memory_space<vmem>>, vector<16xf32>,
      %get3A_170 = arith.index_cast %scan3A_129 : i32 to index
      %get3A_171 = arith.constant 48 : index
      %get3A_172 = tpu.vector_load %arg11[%get3A_170, %get3A_171] {strides = array<i32>} : memref<128x64xf32, #tpu.memory_space<vmem>>, vector<16xf32>,
      %get3A_173 = arith.index_cast %scan3A_129 : i32 to index
      %get3A_174 = arith.constant 48 : index
      %get3A_175 = tpu.vector_load %arg12[%get3A_173, %get3A_174] {strides = array<i32>} : memref<128x64xf32, #tpu.memory_space<vmem>>, vector<16xf32>,
      %add3A_176 = arith.addf %get3A_172, %get3A_175 : vector<16xf32>
      %get3A_177 = arith.index_cast %scan3A_129 : i32 to index
      %get3A_178 = arith.constant 48 : index
      %get3A_179 = tpu.vector_load %arg13[%get3A_177, %get3A_178] {strides = array<i32>} : memref<128x64xf32, #tpu.memory_space<vmem>>, vector<16xf32>,
      %add3A_180 = arith.addf %add3A_176, %get3A_179 : vector<16xf32>
      %swap3A_181 = arith.index_cast %scan3A_129 : i32 to index
      %swap3A_182 = arith.constant 48 : index
      %swap3A_183 = tpu.vector_load %arg14[%swap3A_181, %swap3A_182] {strides = array<i32>} : memref<128x128xf32, #tpu.memory_space<vmem>>, vector<16xf32>,
      tpu.vector_store %arg14[%swap3A_181, %swap3A_182], %add3A_180 {strides = array<i32>} : memref<128x128xf32, #tpu.memory_space<vmem>>, vector<16xf32>,
    }
    %scan3A_30 = arith.constant 128 : i32
    %add3A_31 = arith.constant 0 : i32
    %add3A_32 = arith.addi %mul3A_2, %add3A_31 : i32
    "tpu.region"() ({
      %run_scoped3A = tpu.sem_alloc : memref<!tpu.dma_semaphore, #tpu.memory_space<semaphore_mem>>
      %dma_start3A = arith.constant 0 : i32
      %dma_start3A_129 = tpu.memref_slice %arg7[%add3A_32, %dma_start3A] : memref<16384x128xf32, #tpu.memory_space<hbm>> -> memref<128x128xf32, #tpu.memory_space<hbm>>
      %dma_start3A_130 = arith.constant 0 : i32
      %dma_start3A_131 = tpu.memref_slice %arg7[%add3A_32, %dma_start3A_130] : memref<16384x128xf32, #tpu.memory_space<hbm>> -> memref<128x128xf32, #tpu.memory_space<hbm>>
      tpu.enqueue_dma source(%arg14 : memref<128x128xf32, #tpu.memory_space<vmem>>) target(%dma_start3A_131 : memref<128x128xf32, #tpu.memory_space<hbm>>) target_semaphore(%run_scoped3A : memref<!tpu.dma_semaphore, #tpu.memory_space<semaphore_mem>>)
      %dma_wait3A_132 = arith.constant 0 : i32
      %dma_wait3A_133 = tpu.memref_slice %arg7[%add3A_32, %dma_wait3A_132] : memref<16384x128xf32, #tpu.memory_space<hbm>> -> memref<128x128xf32, #tpu.memory_space<hbm>>
      %dma_wait3A_134 = arith.constant 0 : i32
      %dma_wait3A_135 = tpu.memref_slice %arg7[%add3A_32, %dma_wait3A_134] : memref<16384x128xf32, #tpu.memory_space<hbm>> -> memref<128x128xf32, #tpu.memory_space<hbm>>
      tpu.wait_dma2 semaphore(%run_scoped3A : memref<!tpu.dma_semaphore, #tpu.memory_space<semaphore_mem>>) src(%arg14 : memref<128x128xf32, #tpu.memory_space<vmem>>) dst(%dma_wait3A_135 : memref<128x128xf32, #tpu.memory_space<hbm>>)
      tpu.yield
    }) : () -> ()
    %scan3A_33 = arith.constant 0 : i32
    %scan3A_34 = arith.constant 0 : i32
    %scan3A_35 = arith.constant 128 : i32
    %scan3A_36 = arith.addi %scan3A_34, %scan3A_35 : i32
    %scan3A_37 = arith.constant 1 : i32
    scf.for %scan3A_129 = %scan3A_34 to %scan3A_36 step %scan3A_37  : i32 {
      %add3A_130 = arith.constant 128 : i32
      %add3A_131 = arith.addi %add3A_130, %scan3A_129 : i32
      %get3A = arith.index_cast %add3A_131 : i32 to index
      %get3A_132 = tpu.vector_load %arg8[%get3A] {strides = array<i32>} : memref<528xi32, #tpu.memory_space<vmem>>, vector<16xi32>,
      %slice3A = vector.extract_strided_slice %get3A_132 {offsets = [0], sizes = [1], strides = [1]} : vector<16xi32> to vector<1xi32>
      %squeeze3A = vector.extract %slice3A[0] : i32 from vector<1xi32>
      %add3A_133 = arith.constant 128 : i32
      %add3A_134 = arith.addi %add3A_133, %scan3A_129 : i32
      %get3A_135 = arith.index_cast %add3A_134 : i32 to index
      %get3A_136 = tpu.vector_load %arg9[%get3A_135] {strides = array<i32>} : memref<528xi32, #tpu.memory_space<vmem>>, vector<16xi32>,
      %slice3A_137 = vector.extract_strided_slice %get3A_136 {offsets = [0], sizes = [1], strides = [1]} : vector<16xi32> to vector<1xi32>
      %squeeze3A_138 = vector.extract %slice3A_137[0] : i32 from vector<1xi32>
      %add3A_139 = arith.constant 128 : i32
      %add3A_140 = arith.addi %add3A_139, %scan3A_129 : i32
      %get3A_141 = arith.index_cast %add3A_140 : i32 to index
      %get3A_142 = tpu.vector_load %arg10[%get3A_141] {strides = array<i32>} : memref<528xi32, #tpu.memory_space<vmem>>, vector<16xi32>,
      %slice3A_143 = vector.extract_strided_slice %get3A_142 {offsets = [0], sizes = [1], strides = [1]} : vector<16xi32> to vector<1xi32>
      %squeeze3A_144 = vector.extract %slice3A_143[0] : i32 from vector<1xi32>
      %dma_start3A = arith.constant 0 : i32
      %dma_start3A_145 = tpu.memref_slice %arg11[%scan3A_129, %dma_start3A] : memref<128x64xf32, #tpu.memory_space<vmem>> -> memref<1x64xf32, #tpu.memory_space<vmem>>
      %dma_start3A_146 = arith.constant 0 : i32
      %dma_start3A_147 = tpu.memref_slice %arg2[%squeeze3A, %dma_start3A_146] : memref<1000000x64xf32, #tpu.memory_space<hbm>> -> memref<1x64xf32, #tpu.memory_space<hbm>>
      %dma_start3A_148 = arith.constant 0 : i32
      %dma_start3A_149 = tpu.memref_slice %arg11[%scan3A_129, %dma_start3A_148] : memref<128x64xf32, #tpu.memory_space<vmem>> -> memref<1x64xf32, #tpu.memory_space<vmem>>
      %dma_start3A_150 = arith.constant 0 : i32
      %dma_start3A_151 = tpu.memref_slice %arg2[%squeeze3A, %dma_start3A_150] : memref<1000000x64xf32, #tpu.memory_space<hbm>> -> memref<1x64xf32, #tpu.memory_space<hbm>>
      tpu.enqueue_dma source(%dma_start3A_151 : memref<1x64xf32, #tpu.memory_space<hbm>>) target(%dma_start3A_149 : memref<1x64xf32, #tpu.memory_space<vmem>>) target_semaphore(%arg15 : memref<!tpu.dma_semaphore, #tpu.memory_space<semaphore_mem>>)
      %dma_start3A_152 = arith.constant 0 : i32
      %dma_start3A_153 = tpu.memref_slice %arg12[%scan3A_129, %dma_start3A_152] : memref<128x64xf32, #tpu.memory_space<vmem>> -> memref<1x64xf32, #tpu.memory_space<vmem>>
      %dma_start3A_154 = arith.constant 0 : i32
      %dma_start3A_155 = tpu.memref_slice %arg3[%squeeze3A_138, %dma_start3A_154] : memref<1000x64xf32, #tpu.memory_space<hbm>> -> memref<1x64xf32, #tpu.memory_space<hbm>>
      %dma_start3A_156 = arith.constant 0 : i32
      %dma_start3A_157 = tpu.memref_slice %arg12[%scan3A_129, %dma_start3A_156] : memref<128x64xf32, #tpu.memory_space<vmem>> -> memref<1x64xf32, #tpu.memory_space<vmem>>
      %dma_start3A_158 = arith.constant 0 : i32
      %dma_start3A_159 = tpu.memref_slice %arg3[%squeeze3A_138, %dma_start3A_158] : memref<1000x64xf32, #tpu.memory_space<hbm>> -> memref<1x64xf32, #tpu.memory_space<hbm>>
      tpu.enqueue_dma source(%dma_start3A_159 : memref<1x64xf32, #tpu.memory_space<hbm>>) target(%dma_start3A_157 : memref<1x64xf32, #tpu.memory_space<vmem>>) target_semaphore(%arg16 : memref<!tpu.dma_semaphore, #tpu.memory_space<semaphore_mem>>)
      %dma_start3A_160 = arith.constant 0 : i32
      %dma_start3A_161 = tpu.memref_slice %arg13[%scan3A_129, %dma_start3A_160] : memref<128x64xf32, #tpu.memory_space<vmem>> -> memref<1x64xf32, #tpu.memory_space<vmem>>
      %dma_start3A_162 = arith.constant 0 : i32
      %dma_start3A_163 = tpu.memref_slice %arg2[%squeeze3A_144, %dma_start3A_162] : memref<1000000x64xf32, #tpu.memory_space<hbm>> -> memref<1x64xf32, #tpu.memory_space<hbm>>
      %dma_start3A_164 = arith.constant 0 : i32
      %dma_start3A_165 = tpu.memref_slice %arg13[%scan3A_129, %dma_start3A_164] : memref<128x64xf32, #tpu.memory_space<vmem>> -> memref<1x64xf32, #tpu.memory_space<vmem>>
      %dma_start3A_166 = arith.constant 0 : i32
      %dma_start3A_167 = tpu.memref_slice %arg2[%squeeze3A_144, %dma_start3A_166] : memref<1000000x64xf32, #tpu.memory_space<hbm>> -> memref<1x64xf32, #tpu.memory_space<hbm>>
      tpu.enqueue_dma source(%dma_start3A_167 : memref<1x64xf32, #tpu.memory_space<hbm>>) target(%dma_start3A_165 : memref<1x64xf32, #tpu.memory_space<vmem>>) target_semaphore(%arg17 : memref<!tpu.dma_semaphore, #tpu.memory_space<semaphore_mem>>)
    }
    %scan3A_38 = arith.constant 128 : i32
    %dma_wait3A_39 = arith.constant 0 : i32
    %dma_wait3A_40 = arith.constant 0 : i32
    %dma_wait3A_41 = tpu.memref_slice %arg2[%dma_wait3A_39, %dma_wait3A_40] : memref<1000000x64xf32, #tpu.memory_space<hbm>> -> memref<128x64xf32, #tpu.memory_space<hbm>>
    %dma_wait3A_42 = arith.constant 0 : i32
    %dma_wait3A_43 = arith.constant 0 : i32
    %dma_wait3A_44 = tpu.memref_slice %arg2[%dma_wait3A_42, %dma_wait3A_43] : memref<1000000x64xf32, #tpu.memory_space<hbm>> -> memref<128x64xf32, #tpu.memory_space<hbm>>
    tpu.wait_dma2 semaphore(%arg15 : memref<!tpu.dma_semaphore, #tpu.memory_space<semaphore_mem>>) src(%dma_wait3A_44 : memref<128x64xf32, #tpu.memory_space<hbm>>) dst(%arg11 : memref<128x64xf32, #tpu.memory_space<vmem>>)
    %dma_wait3A_45 = arith.constant 0 : i32
    %dma_wait3A_46 = arith.constant 0 : i32
    %dma_wait3A_47 = tpu.memref_slice %arg3[%dma_wait3A_45, %dma_wait3A_46] : memref<1000x64xf32, #tpu.memory_space<hbm>> -> memref<128x64xf32, #tpu.memory_space<hbm>>
    %dma_wait3A_48 = arith.constant 0 : i32
    %dma_wait3A_49 = arith.constant 0 : i32
    %dma_wait3A_50 = tpu.memref_slice %arg3[%dma_wait3A_48, %dma_wait3A_49] : memref<1000x64xf32, #tpu.memory_space<hbm>> -> memref<128x64xf32, #tpu.memory_space<hbm>>
    tpu.wait_dma2 semaphore(%arg16 : memref<!tpu.dma_semaphore, #tpu.memory_space<semaphore_mem>>) src(%dma_wait3A_50 : memref<128x64xf32, #tpu.memory_space<hbm>>) dst(%arg12 : memref<128x64xf32, #tpu.memory_space<vmem>>)
    %dma_wait3A_51 = arith.constant 0 : i32
    %dma_wait3A_52 = arith.constant 0 : i32
    %dma_wait3A_53 = tpu.memref_slice %arg2[%dma_wait3A_51, %dma_wait3A_52] : memref<1000000x64xf32, #tpu.memory_space<hbm>> -> memref<128x64xf32, #tpu.memory_space<hbm>>
    %dma_wait3A_54 = arith.constant 0 : i32
    %dma_wait3A_55 = arith.constant 0 : i32
    %dma_wait3A_56 = tpu.memref_slice %arg2[%dma_wait3A_54, %dma_wait3A_55] : memref<1000000x64xf32, #tpu.memory_space<hbm>> -> memref<128x64xf32, #tpu.memory_space<hbm>>
    tpu.wait_dma2 semaphore(%arg17 : memref<!tpu.dma_semaphore, #tpu.memory_space<semaphore_mem>>) src(%dma_wait3A_56 : memref<128x64xf32, #tpu.memory_space<hbm>>) dst(%arg13 : memref<128x64xf32, #tpu.memory_space<vmem>>)
    %scan3A_57 = arith.constant 0 : i32
    %scan3A_58 = arith.constant 0 : i32
    %scan3A_59 = arith.constant 128 : i32
    %scan3A_60 = arith.addi %scan3A_58, %scan3A_59 : i32
    %scan3A_61 = arith.constant 1 : i32
    scf.for %scan3A_129 = %scan3A_58 to %scan3A_60 step %scan3A_61  : i32 {
      %get3A = arith.index_cast %scan3A_129 : i32 to index
      %get3A_130 = arith.constant 0 : index
      %get3A_131 = tpu.vector_load %arg11[%get3A, %get3A_130] {strides = array<i32>} : memref<128x64xf32, #tpu.memory_space<vmem>>, vector<16xf32>,
      %get3A_132 = arith.index_cast %scan3A_129 : i32 to index
      %get3A_133 = arith.constant 0 : index
      %get3A_134 = tpu.vector_load %arg12[%get3A_132, %get3A_133] {strides = array<i32>} : memref<128x64xf32, #tpu.memory_space<vmem>>, vector<16xf32>,
      %add3A_135 = arith.addf %get3A_131, %get3A_134 : vector<16xf32>
      %get3A_136 = arith.index_cast %scan3A_129 : i32 to index
      %get3A_137 = arith.constant 0 : index
      %get3A_138 = tpu.vector_load %arg13[%get3A_136, %get3A_137] {strides = array<i32>} : memref<128x64xf32, #tpu.memory_space<vmem>>, vector<16xf32>,
      %add3A_139 = arith.addf %add3A_135, %get3A_138 : vector<16xf32>
      %swap3A = arith.index_cast %scan3A_129 : i32 to index
      %swap3A_140 = arith.constant 0 : index
      %swap3A_141 = tpu.vector_load %arg14[%swap3A, %swap3A_140] {strides = array<i32>} : memref<128x128xf32, #tpu.memory_space<vmem>>, vector<16xf32>,
      tpu.vector_store %arg14[%swap3A, %swap3A_140], %add3A_139 {strides = array<i32>} : memref<128x128xf32, #tpu.memory_space<vmem>>, vector<16xf32>,
      %get3A_142 = arith.index_cast %scan3A_129 : i32 to index
      %get3A_143 = arith.constant 16 : index
      %get3A_144 = tpu.vector_load %arg11[%get3A_142, %get3A_143] {strides = array<i32>} : memref<128x64xf32, #tpu.memory_space<vmem>>, vector<16xf32>,
      %get3A_145 = arith.index_cast %scan3A_129 : i32 to index
      %get3A_146 = arith.constant 16 : index
      %get3A_147 = tpu.vector_load %arg12[%get3A_145, %get3A_146] {strides = array<i32>} : memref<128x64xf32, #tpu.memory_space<vmem>>, vector<16xf32>,
      %add3A_148 = arith.addf %get3A_144, %get3A_147 : vector<16xf32>
      %get3A_149 = arith.index_cast %scan3A_129 : i32 to index
      %get3A_150 = arith.constant 16 : index
      %get3A_151 = tpu.vector_load %arg13[%get3A_149, %get3A_150] {strides = array<i32>} : memref<128x64xf32, #tpu.memory_space<vmem>>, vector<16xf32>,
      %add3A_152 = arith.addf %add3A_148, %get3A_151 : vector<16xf32>
      %swap3A_153 = arith.index_cast %scan3A_129 : i32 to index
      %swap3A_154 = arith.constant 16 : index
      %swap3A_155 = tpu.vector_load %arg14[%swap3A_153, %swap3A_154] {strides = array<i32>} : memref<128x128xf32, #tpu.memory_space<vmem>>, vector<16xf32>,
      tpu.vector_store %arg14[%swap3A_153, %swap3A_154], %add3A_152 {strides = array<i32>} : memref<128x128xf32, #tpu.memory_space<vmem>>, vector<16xf32>,
      %get3A_156 = arith.index_cast %scan3A_129 : i32 to index
      %get3A_157 = arith.constant 32 : index
      %get3A_158 = tpu.vector_load %arg11[%get3A_156, %get3A_157] {strides = array<i32>} : memref<128x64xf32, #tpu.memory_space<vmem>>, vector<16xf32>,
      %get3A_159 = arith.index_cast %scan3A_129 : i32 to index
      %get3A_160 = arith.constant 32 : index
      %get3A_161 = tpu.vector_load %arg12[%get3A_159, %get3A_160] {strides = array<i32>} : memref<128x64xf32, #tpu.memory_space<vmem>>, vector<16xf32>,
      %add3A_162 = arith.addf %get3A_158, %get3A_161 : vector<16xf32>
      %get3A_163 = arith.index_cast %scan3A_129 : i32 to index
      %get3A_164 = arith.constant 32 : index
      %get3A_165 = tpu.vector_load %arg13[%get3A_163, %get3A_164] {strides = array<i32>} : memref<128x64xf32, #tpu.memory_space<vmem>>, vector<16xf32>,
      %add3A_166 = arith.addf %add3A_162, %get3A_165 : vector<16xf32>
      %swap3A_167 = arith.index_cast %scan3A_129 : i32 to index
      %swap3A_168 = arith.constant 32 : index
      %swap3A_169 = tpu.vector_load %arg14[%swap3A_167, %swap3A_168] {strides = array<i32>} : memref<128x128xf32, #tpu.memory_space<vmem>>, vector<16xf32>,
      tpu.vector_store %arg14[%swap3A_167, %swap3A_168], %add3A_166 {strides = array<i32>} : memref<128x128xf32, #tpu.memory_space<vmem>>, vector<16xf32>,
      %get3A_170 = arith.index_cast %scan3A_129 : i32 to index
      %get3A_171 = arith.constant 48 : index
      %get3A_172 = tpu.vector_load %arg11[%get3A_170, %get3A_171] {strides = array<i32>} : memref<128x64xf32, #tpu.memory_space<vmem>>, vector<16xf32>,
      %get3A_173 = arith.index_cast %scan3A_129 : i32 to index
      %get3A_174 = arith.constant 48 : index
      %get3A_175 = tpu.vector_load %arg12[%get3A_173, %get3A_174] {strides = array<i32>} : memref<128x64xf32, #tpu.memory_space<vmem>>, vector<16xf32>,
      %add3A_176 = arith.addf %get3A_172, %get3A_175 : vector<16xf32>
      %get3A_177 = arith.index_cast %scan3A_129 : i32 to index
      %get3A_178 = arith.constant 48 : index
      %get3A_179 = tpu.vector_load %arg13[%get3A_177, %get3A_178] {strides = array<i32>} : memref<128x64xf32, #tpu.memory_space<vmem>>, vector<16xf32>,
      %add3A_180 = arith.addf %add3A_176, %get3A_179 : vector<16xf32>
      %swap3A_181 = arith.index_cast %scan3A_129 : i32 to index
      %swap3A_182 = arith.constant 48 : index
      %swap3A_183 = tpu.vector_load %arg14[%swap3A_181, %swap3A_182] {strides = array<i32>} : memref<128x128xf32, #tpu.memory_space<vmem>>, vector<16xf32>,
      tpu.vector_store %arg14[%swap3A_181, %swap3A_182], %add3A_180 {strides = array<i32>} : memref<128x128xf32, #tpu.memory_space<vmem>>, vector<16xf32>,
    }
    %scan3A_62 = arith.constant 128 : i32
    %add3A_63 = arith.constant 128 : i32
    %add3A_64 = arith.addi %mul3A_2, %add3A_63 : i32
    "tpu.region"() ({
      %run_scoped3A = tpu.sem_alloc : memref<!tpu.dma_semaphore, #tpu.memory_space<semaphore_mem>>
      %dma_start3A = arith.constant 0 : i32
      %dma_start3A_129 = tpu.memref_slice %arg7[%add3A_64, %dma_start3A] : memref<16384x128xf32, #tpu.memory_space<hbm>> -> memref<128x128xf32, #tpu.memory_space<hbm>>
      %dma_start3A_130 = arith.constant 0 : i32
      %dma_start3A_131 = tpu.memref_slice %arg7[%add3A_64, %dma_start3A_130] : memref<16384x128xf32, #tpu.memory_space<hbm>> -> memref<128x128xf32, #tpu.memory_space<hbm>>
      tpu.enqueue_dma source(%arg14 : memref<128x128xf32, #tpu.memory_space<vmem>>) target(%dma_start3A_131 : memref<128x128xf32, #tpu.memory_space<hbm>>) target_semaphore(%run_scoped3A : memref<!tpu.dma_semaphore, #tpu.memory_space<semaphore_mem>>)
      %dma_wait3A_132 = arith.constant 0 : i32
      %dma_wait3A_133 = tpu.memref_slice %arg7[%add3A_64, %dma_wait3A_132] : memref<16384x128xf32, #tpu.memory_space<hbm>> -> memref<128x128xf32, #tpu.memory_space<hbm>>
      %dma_wait3A_134 = arith.constant 0 : i32
      %dma_wait3A_135 = tpu.memref_slice %arg7[%add3A_64, %dma_wait3A_134] : memref<16384x128xf32, #tpu.memory_space<hbm>> -> memref<128x128xf32, #tpu.memory_space<hbm>>
      tpu.wait_dma2 semaphore(%run_scoped3A : memref<!tpu.dma_semaphore, #tpu.memory_space<semaphore_mem>>) src(%arg14 : memref<128x128xf32, #tpu.memory_space<vmem>>) dst(%dma_wait3A_135 : memref<128x128xf32, #tpu.memory_space<hbm>>)
      tpu.yield
    }) : () -> ()
    %scan3A_65 = arith.constant 0 : i32
    %scan3A_66 = arith.constant 0 : i32
    %scan3A_67 = arith.constant 128 : i32
    %scan3A_68 = arith.addi %scan3A_66, %scan3A_67 : i32
    %scan3A_69 = arith.constant 1 : i32
    scf.for %scan3A_129 = %scan3A_66 to %scan3A_68 step %scan3A_69  : i32 {
      %add3A_130 = arith.constant 256 : i32
      %add3A_131 = arith.addi %add3A_130, %scan3A_129 : i32
      %get3A = arith.index_cast %add3A_131 : i32 to index
      %get3A_132 = tpu.vector_load %arg8[%get3A] {strides = array<i32>} : memref<528xi32, #tpu.memory_space<vmem>>, vector<16xi32>,
      %slice3A = vector.extract_strided_slice %get3A_132 {offsets = [0], sizes = [1], strides = [1]} : vector<16xi32> to vector<1xi32>
      %squeeze3A = vector.extract %slice3A[0] : i32 from vector<1xi32>
      %add3A_133 = arith.constant 256 : i32
      %add3A_134 = arith.addi %add3A_133, %scan3A_129 : i32
      %get3A_135 = arith.index_cast %add3A_134 : i32 to index
      %get3A_136 = tpu.vector_load %arg9[%get3A_135] {strides = array<i32>} : memref<528xi32, #tpu.memory_space<vmem>>, vector<16xi32>,
      %slice3A_137 = vector.extract_strided_slice %get3A_136 {offsets = [0], sizes = [1], strides = [1]} : vector<16xi32> to vector<1xi32>
      %squeeze3A_138 = vector.extract %slice3A_137[0] : i32 from vector<1xi32>
      %add3A_139 = arith.constant 256 : i32
      %add3A_140 = arith.addi %add3A_139, %scan3A_129 : i32
      %get3A_141 = arith.index_cast %add3A_140 : i32 to index
      %get3A_142 = tpu.vector_load %arg10[%get3A_141] {strides = array<i32>} : memref<528xi32, #tpu.memory_space<vmem>>, vector<16xi32>,
      %slice3A_143 = vector.extract_strided_slice %get3A_142 {offsets = [0], sizes = [1], strides = [1]} : vector<16xi32> to vector<1xi32>
      %squeeze3A_144 = vector.extract %slice3A_143[0] : i32 from vector<1xi32>
      %dma_start3A = arith.constant 0 : i32
      %dma_start3A_145 = tpu.memref_slice %arg11[%scan3A_129, %dma_start3A] : memref<128x64xf32, #tpu.memory_space<vmem>> -> memref<1x64xf32, #tpu.memory_space<vmem>>
      %dma_start3A_146 = arith.constant 0 : i32
      %dma_start3A_147 = tpu.memref_slice %arg2[%squeeze3A, %dma_start3A_146] : memref<1000000x64xf32, #tpu.memory_space<hbm>> -> memref<1x64xf32, #tpu.memory_space<hbm>>
      %dma_start3A_148 = arith.constant 0 : i32
      %dma_start3A_149 = tpu.memref_slice %arg11[%scan3A_129, %dma_start3A_148] : memref<128x64xf32, #tpu.memory_space<vmem>> -> memref<1x64xf32, #tpu.memory_space<vmem>>
      %dma_start3A_150 = arith.constant 0 : i32
      %dma_start3A_151 = tpu.memref_slice %arg2[%squeeze3A, %dma_start3A_150] : memref<1000000x64xf32, #tpu.memory_space<hbm>> -> memref<1x64xf32, #tpu.memory_space<hbm>>
      tpu.enqueue_dma source(%dma_start3A_151 : memref<1x64xf32, #tpu.memory_space<hbm>>) target(%dma_start3A_149 : memref<1x64xf32, #tpu.memory_space<vmem>>) target_semaphore(%arg15 : memref<!tpu.dma_semaphore, #tpu.memory_space<semaphore_mem>>)
      %dma_start3A_152 = arith.constant 0 : i32
      %dma_start3A_153 = tpu.memref_slice %arg12[%scan3A_129, %dma_start3A_152] : memref<128x64xf32, #tpu.memory_space<vmem>> -> memref<1x64xf32, #tpu.memory_space<vmem>>
      %dma_start3A_154 = arith.constant 0 : i32
      %dma_start3A_155 = tpu.memref_slice %arg3[%squeeze3A_138, %dma_start3A_154] : memref<1000x64xf32, #tpu.memory_space<hbm>> -> memref<1x64xf32, #tpu.memory_space<hbm>>
      %dma_start3A_156 = arith.constant 0 : i32
      %dma_start3A_157 = tpu.memref_slice %arg12[%scan3A_129, %dma_start3A_156] : memref<128x64xf32, #tpu.memory_space<vmem>> -> memref<1x64xf32, #tpu.memory_space<vmem>>
      %dma_start3A_158 = arith.constant 0 : i32
      %dma_start3A_159 = tpu.memref_slice %arg3[%squeeze3A_138, %dma_start3A_158] : memref<1000x64xf32, #tpu.memory_space<hbm>> -> memref<1x64xf32, #tpu.memory_space<hbm>>
      tpu.enqueue_dma source(%dma_start3A_159 : memref<1x64xf32, #tpu.memory_space<hbm>>) target(%dma_start3A_157 : memref<1x64xf32, #tpu.memory_space<vmem>>) target_semaphore(%arg16 : memref<!tpu.dma_semaphore, #tpu.memory_space<semaphore_mem>>)
      %dma_start3A_160 = arith.constant 0 : i32
      %dma_start3A_161 = tpu.memref_slice %arg13[%scan3A_129, %dma_start3A_160] : memref<128x64xf32, #tpu.memory_space<vmem>> -> memref<1x64xf32, #tpu.memory_space<vmem>>
      %dma_start3A_162 = arith.constant 0 : i32
      %dma_start3A_163 = tpu.memref_slice %arg2[%squeeze3A_144, %dma_start3A_162] : memref<1000000x64xf32, #tpu.memory_space<hbm>> -> memref<1x64xf32, #tpu.memory_space<hbm>>
      %dma_start3A_164 = arith.constant 0 : i32
      %dma_start3A_165 = tpu.memref_slice %arg13[%scan3A_129, %dma_start3A_164] : memref<128x64xf32, #tpu.memory_space<vmem>> -> memref<1x64xf32, #tpu.memory_space<vmem>>
      %dma_start3A_166 = arith.constant 0 : i32
      %dma_start3A_167 = tpu.memref_slice %arg2[%squeeze3A_144, %dma_start3A_166] : memref<1000000x64xf32, #tpu.memory_space<hbm>> -> memref<1x64xf32, #tpu.memory_space<hbm>>
      tpu.enqueue_dma source(%dma_start3A_167 : memref<1x64xf32, #tpu.memory_space<hbm>>) target(%dma_start3A_165 : memref<1x64xf32, #tpu.memory_space<vmem>>) target_semaphore(%arg17 : memref<!tpu.dma_semaphore, #tpu.memory_space<semaphore_mem>>)
    }
    %scan3A_70 = arith.constant 128 : i32
    %dma_wait3A_71 = arith.constant 0 : i32
    %dma_wait3A_72 = arith.constant 0 : i32
    %dma_wait3A_73 = tpu.memref_slice %arg2[%dma_wait3A_71, %dma_wait3A_72] : memref<1000000x64xf32, #tpu.memory_space<hbm>> -> memref<128x64xf32, #tpu.memory_space<hbm>>
    %dma_wait3A_74 = arith.constant 0 : i32
    %dma_wait3A_75 = arith.constant 0 : i32
    %dma_wait3A_76 = tpu.memref_slice %arg2[%dma_wait3A_74, %dma_wait3A_75] : memref<1000000x64xf32, #tpu.memory_space<hbm>> -> memref<128x64xf32, #tpu.memory_space<hbm>>
    tpu.wait_dma2 semaphore(%arg15 : memref<!tpu.dma_semaphore, #tpu.memory_space<semaphore_mem>>) src(%dma_wait3A_76 : memref<128x64xf32, #tpu.memory_space<hbm>>) dst(%arg11 : memref<128x64xf32, #tpu.memory_space<vmem>>)
    %dma_wait3A_77 = arith.constant 0 : i32
    %dma_wait3A_78 = arith.constant 0 : i32
    %dma_wait3A_79 = tpu.memref_slice %arg3[%dma_wait3A_77, %dma_wait3A_78] : memref<1000x64xf32, #tpu.memory_space<hbm>> -> memref<128x64xf32, #tpu.memory_space<hbm>>
    %dma_wait3A_80 = arith.constant 0 : i32
    %dma_wait3A_81 = arith.constant 0 : i32
    %dma_wait3A_82 = tpu.memref_slice %arg3[%dma_wait3A_80, %dma_wait3A_81] : memref<1000x64xf32, #tpu.memory_space<hbm>> -> memref<128x64xf32, #tpu.memory_space<hbm>>
    tpu.wait_dma2 semaphore(%arg16 : memref<!tpu.dma_semaphore, #tpu.memory_space<semaphore_mem>>) src(%dma_wait3A_82 : memref<128x64xf32, #tpu.memory_space<hbm>>) dst(%arg12 : memref<128x64xf32, #tpu.memory_space<vmem>>)
    %dma_wait3A_83 = arith.constant 0 : i32
    %dma_wait3A_84 = arith.constant 0 : i32
    %dma_wait3A_85 = tpu.memref_slice %arg2[%dma_wait3A_83, %dma_wait3A_84] : memref<1000000x64xf32, #tpu.memory_space<hbm>> -> memref<128x64xf32, #tpu.memory_space<hbm>>
    %dma_wait3A_86 = arith.constant 0 : i32
    %dma_wait3A_87 = arith.constant 0 : i32
    %dma_wait3A_88 = tpu.memref_slice %arg2[%dma_wait3A_86, %dma_wait3A_87] : memref<1000000x64xf32, #tpu.memory_space<hbm>> -> memref<128x64xf32, #tpu.memory_space<hbm>>
    tpu.wait_dma2 semaphore(%arg17 : memref<!tpu.dma_semaphore, #tpu.memory_space<semaphore_mem>>) src(%dma_wait3A_88 : memref<128x64xf32, #tpu.memory_space<hbm>>) dst(%arg13 : memref<128x64xf32, #tpu.memory_space<vmem>>)
    %scan3A_89 = arith.constant 0 : i32
    %scan3A_90 = arith.constant 0 : i32
    %scan3A_91 = arith.constant 128 : i32
    %scan3A_92 = arith.addi %scan3A_90, %scan3A_91 : i32
    %scan3A_93 = arith.constant 1 : i32
    scf.for %scan3A_129 = %scan3A_90 to %scan3A_92 step %scan3A_93  : i32 {
      %get3A = arith.index_cast %scan3A_129 : i32 to index
      %get3A_130 = arith.constant 0 : index
      %get3A_131 = tpu.vector_load %arg11[%get3A, %get3A_130] {strides = array<i32>} : memref<128x64xf32, #tpu.memory_space<vmem>>, vector<16xf32>,
      %get3A_132 = arith.index_cast %scan3A_129 : i32 to index
      %get3A_133 = arith.constant 0 : index
      %get3A_134 = tpu.vector_load %arg12[%get3A_132, %get3A_133] {strides = array<i32>} : memref<128x64xf32, #tpu.memory_space<vmem>>, vector<16xf32>,
      %add3A_135 = arith.addf %get3A_131, %get3A_134 : vector<16xf32>
      %get3A_136 = arith.index_cast %scan3A_129 : i32 to index
      %get3A_137 = arith.constant 0 : index
      %get3A_138 = tpu.vector_load %arg13[%get3A_136, %get3A_137] {strides = array<i32>} : memref<128x64xf32, #tpu.memory_space<vmem>>, vector<16xf32>,
      %add3A_139 = arith.addf %add3A_135, %get3A_138 : vector<16xf32>
      %swap3A = arith.index_cast %scan3A_129 : i32 to index
      %swap3A_140 = arith.constant 0 : index
      %swap3A_141 = tpu.vector_load %arg14[%swap3A, %swap3A_140] {strides = array<i32>} : memref<128x128xf32, #tpu.memory_space<vmem>>, vector<16xf32>,
      tpu.vector_store %arg14[%swap3A, %swap3A_140], %add3A_139 {strides = array<i32>} : memref<128x128xf32, #tpu.memory_space<vmem>>, vector<16xf32>,
      %get3A_142 = arith.index_cast %scan3A_129 : i32 to index
      %get3A_143 = arith.constant 16 : index
      %get3A_144 = tpu.vector_load %arg11[%get3A_142, %get3A_143] {strides = array<i32>} : memref<128x64xf32, #tpu.memory_space<vmem>>, vector<16xf32>,
      %get3A_145 = arith.index_cast %scan3A_129 : i32 to index
      %get3A_146 = arith.constant 16 : index
      %get3A_147 = tpu.vector_load %arg12[%get3A_145, %get3A_146] {strides = array<i32>} : memref<128x64xf32, #tpu.memory_space<vmem>>, vector<16xf32>,
      %add3A_148 = arith.addf %get3A_144, %get3A_147 : vector<16xf32>
      %get3A_149 = arith.index_cast %scan3A_129 : i32 to index
      %get3A_150 = arith.constant 16 : index
      %get3A_151 = tpu.vector_load %arg13[%get3A_149, %get3A_150] {strides = array<i32>} : memref<128x64xf32, #tpu.memory_space<vmem>>, vector<16xf32>,
      %add3A_152 = arith.addf %add3A_148, %get3A_151 : vector<16xf32>
      %swap3A_153 = arith.index_cast %scan3A_129 : i32 to index
      %swap3A_154 = arith.constant 16 : index
      %swap3A_155 = tpu.vector_load %arg14[%swap3A_153, %swap3A_154] {strides = array<i32>} : memref<128x128xf32, #tpu.memory_space<vmem>>, vector<16xf32>,
      tpu.vector_store %arg14[%swap3A_153, %swap3A_154], %add3A_152 {strides = array<i32>} : memref<128x128xf32, #tpu.memory_space<vmem>>, vector<16xf32>,
      %get3A_156 = arith.index_cast %scan3A_129 : i32 to index
      %get3A_157 = arith.constant 32 : index
      %get3A_158 = tpu.vector_load %arg11[%get3A_156, %get3A_157] {strides = array<i32>} : memref<128x64xf32, #tpu.memory_space<vmem>>, vector<16xf32>,
      %get3A_159 = arith.index_cast %scan3A_129 : i32 to index
      %get3A_160 = arith.constant 32 : index
      %get3A_161 = tpu.vector_load %arg12[%get3A_159, %get3A_160] {strides = array<i32>} : memref<128x64xf32, #tpu.memory_space<vmem>>, vector<16xf32>,
      %add3A_162 = arith.addf %get3A_158, %get3A_161 : vector<16xf32>
      %get3A_163 = arith.index_cast %scan3A_129 : i32 to index
      %get3A_164 = arith.constant 32 : index
      %get3A_165 = tpu.vector_load %arg13[%get3A_163, %get3A_164] {strides = array<i32>} : memref<128x64xf32, #tpu.memory_space<vmem>>, vector<16xf32>,
      %add3A_166 = arith.addf %add3A_162, %get3A_165 : vector<16xf32>
      %swap3A_167 = arith.index_cast %scan3A_129 : i32 to index
      %swap3A_168 = arith.constant 32 : index
      %swap3A_169 = tpu.vector_load %arg14[%swap3A_167, %swap3A_168] {strides = array<i32>} : memref<128x128xf32, #tpu.memory_space<vmem>>, vector<16xf32>,
      tpu.vector_store %arg14[%swap3A_167, %swap3A_168], %add3A_166 {strides = array<i32>} : memref<128x128xf32, #tpu.memory_space<vmem>>, vector<16xf32>,
      %get3A_170 = arith.index_cast %scan3A_129 : i32 to index
      %get3A_171 = arith.constant 48 : index
      %get3A_172 = tpu.vector_load %arg11[%get3A_170, %get3A_171] {strides = array<i32>} : memref<128x64xf32, #tpu.memory_space<vmem>>, vector<16xf32>,
      %get3A_173 = arith.index_cast %scan3A_129 : i32 to index
      %get3A_174 = arith.constant 48 : index
      %get3A_175 = tpu.vector_load %arg12[%get3A_173, %get3A_174] {strides = array<i32>} : memref<128x64xf32, #tpu.memory_space<vmem>>, vector<16xf32>,
      %add3A_176 = arith.addf %get3A_172, %get3A_175 : vector<16xf32>
      %get3A_177 = arith.index_cast %scan3A_129 : i32 to index
      %get3A_178 = arith.constant 48 : index
      %get3A_179 = tpu.vector_load %arg13[%get3A_177, %get3A_178] {strides = array<i32>} : memref<128x64xf32, #tpu.memory_space<vmem>>, vector<16xf32>,
      %add3A_180 = arith.addf %add3A_176, %get3A_179 : vector<16xf32>
      %swap3A_181 = arith.index_cast %scan3A_129 : i32 to index
      %swap3A_182 = arith.constant 48 : index
      %swap3A_183 = tpu.vector_load %arg14[%swap3A_181, %swap3A_182] {strides = array<i32>} : memref<128x128xf32, #tpu.memory_space<vmem>>, vector<16xf32>,
      tpu.vector_store %arg14[%swap3A_181, %swap3A_182], %add3A_180 {strides = array<i32>} : memref<128x128xf32, #tpu.memory_space<vmem>>, vector<16xf32>,
    }
    %scan3A_94 = arith.constant 128 : i32
    %add3A_95 = arith.constant 256 : i32
    %add3A_96 = arith.addi %mul3A_2, %add3A_95 : i32
    "tpu.region"() ({
      %run_scoped3A = tpu.sem_alloc : memref<!tpu.dma_semaphore, #tpu.memory_space<semaphore_mem>>
      %dma_start3A = arith.constant 0 : i32
      %dma_start3A_129 = tpu.memref_slice %arg7[%add3A_96, %dma_start3A] : memref<16384x128xf32, #tpu.memory_space<hbm>> -> memref<128x128xf32, #tpu.memory_space<hbm>>
      %dma_start3A_130 = arith.constant 0 : i32
      %dma_start3A_131 = tpu.memref_slice %arg7[%add3A_96, %dma_start3A_130] : memref<16384x128xf32, #tpu.memory_space<hbm>> -> memref<128x128xf32, #tpu.memory_space<hbm>>
      tpu.enqueue_dma source(%arg14 : memref<128x128xf32, #tpu.memory_space<vmem>>) target(%dma_start3A_131 : memref<128x128xf32, #tpu.memory_space<hbm>>) target_semaphore(%run_scoped3A : memref<!tpu.dma_semaphore, #tpu.memory_space<semaphore_mem>>)
      %dma_wait3A_132 = arith.constant 0 : i32
      %dma_wait3A_133 = tpu.memref_slice %arg7[%add3A_96, %dma_wait3A_132] : memref<16384x128xf32, #tpu.memory_space<hbm>> -> memref<128x128xf32, #tpu.memory_space<hbm>>
      %dma_wait3A_134 = arith.constant 0 : i32
      %dma_wait3A_135 = tpu.memref_slice %arg7[%add3A_96, %dma_wait3A_134] : memref<16384x128xf32, #tpu.memory_space<hbm>> -> memref<128x128xf32, #tpu.memory_space<hbm>>
      tpu.wait_dma2 semaphore(%run_scoped3A : memref<!tpu.dma_semaphore, #tpu.memory_space<semaphore_mem>>) src(%arg14 : memref<128x128xf32, #tpu.memory_space<vmem>>) dst(%dma_wait3A_135 : memref<128x128xf32, #tpu.memory_space<hbm>>)
      tpu.yield
    }) : () -> ()
    %scan3A_97 = arith.constant 0 : i32
    %scan3A_98 = arith.constant 0 : i32
    %scan3A_99 = arith.constant 128 : i32
    %scan3A_100 = arith.addi %scan3A_98, %scan3A_99 : i32
    %scan3A_101 = arith.constant 1 : i32
    scf.for %scan3A_129 = %scan3A_98 to %scan3A_100 step %scan3A_101  : i32 {
      %add3A_130 = arith.constant 384 : i32
      %add3A_131 = arith.addi %add3A_130, %scan3A_129 : i32
      %get3A = arith.index_cast %add3A_131 : i32 to index
      %get3A_132 = tpu.vector_load %arg8[%get3A] {strides = array<i32>} : memref<528xi32, #tpu.memory_space<vmem>>, vector<16xi32>,
      %slice3A = vector.extract_strided_slice %get3A_132 {offsets = [0], sizes = [1], strides = [1]} : vector<16xi32> to vector<1xi32>
      %squeeze3A = vector.extract %slice3A[0] : i32 from vector<1xi32>
      %add3A_133 = arith.constant 384 : i32
      %add3A_134 = arith.addi %add3A_133, %scan3A_129 : i32
      %get3A_135 = arith.index_cast %add3A_134 : i32 to index
      %get3A_136 = tpu.vector_load %arg9[%get3A_135] {strides = array<i32>} : memref<528xi32, #tpu.memory_space<vmem>>, vector<16xi32>,
      %slice3A_137 = vector.extract_strided_slice %get3A_136 {offsets = [0], sizes = [1], strides = [1]} : vector<16xi32> to vector<1xi32>
      %squeeze3A_138 = vector.extract %slice3A_137[0] : i32 from vector<1xi32>
      %add3A_139 = arith.constant 384 : i32
      %add3A_140 = arith.addi %add3A_139, %scan3A_129 : i32
      %get3A_141 = arith.index_cast %add3A_140 : i32 to index
      %get3A_142 = tpu.vector_load %arg10[%get3A_141] {strides = array<i32>} : memref<528xi32, #tpu.memory_space<vmem>>, vector<16xi32>,
      %slice3A_143 = vector.extract_strided_slice %get3A_142 {offsets = [0], sizes = [1], strides = [1]} : vector<16xi32> to vector<1xi32>
      %squeeze3A_144 = vector.extract %slice3A_143[0] : i32 from vector<1xi32>
      %dma_start3A = arith.constant 0 : i32
      %dma_start3A_145 = tpu.memref_slice %arg11[%scan3A_129, %dma_start3A] : memref<128x64xf32, #tpu.memory_space<vmem>> -> memref<1x64xf32, #tpu.memory_space<vmem>>
      %dma_start3A_146 = arith.constant 0 : i32
      %dma_start3A_147 = tpu.memref_slice %arg2[%squeeze3A, %dma_start3A_146] : memref<1000000x64xf32, #tpu.memory_space<hbm>> -> memref<1x64xf32, #tpu.memory_space<hbm>>
      %dma_start3A_148 = arith.constant 0 : i32
      %dma_start3A_149 = tpu.memref_slice %arg11[%scan3A_129, %dma_start3A_148] : memref<128x64xf32, #tpu.memory_space<vmem>> -> memref<1x64xf32, #tpu.memory_space<vmem>>
      %dma_start3A_150 = arith.constant 0 : i32
      %dma_start3A_151 = tpu.memref_slice %arg2[%squeeze3A, %dma_start3A_150] : memref<1000000x64xf32, #tpu.memory_space<hbm>> -> memref<1x64xf32, #tpu.memory_space<hbm>>
      tpu.enqueue_dma source(%dma_start3A_151 : memref<1x64xf32, #tpu.memory_space<hbm>>) target(%dma_start3A_149 : memref<1x64xf32, #tpu.memory_space<vmem>>) target_semaphore(%arg15 : memref<!tpu.dma_semaphore, #tpu.memory_space<semaphore_mem>>)
      %dma_start3A_152 = arith.constant 0 : i32
      %dma_start3A_153 = tpu.memref_slice %arg12[%scan3A_129, %dma_start3A_152] : memref<128x64xf32, #tpu.memory_space<vmem>> -> memref<1x64xf32, #tpu.memory_space<vmem>>
      %dma_start3A_154 = arith.constant 0 : i32
      %dma_start3A_155 = tpu.memref_slice %arg3[%squeeze3A_138, %dma_start3A_154] : memref<1000x64xf32, #tpu.memory_space<hbm>> -> memref<1x64xf32, #tpu.memory_space<hbm>>
      %dma_start3A_156 = arith.constant 0 : i32
      %dma_start3A_157 = tpu.memref_slice %arg12[%scan3A_129, %dma_start3A_156] : memref<128x64xf32, #tpu.memory_space<vmem>> -> memref<1x64xf32, #tpu.memory_space<vmem>>
      %dma_start3A_158 = arith.constant 0 : i32
      %dma_start3A_159 = tpu.memref_slice %arg3[%squeeze3A_138, %dma_start3A_158] : memref<1000x64xf32, #tpu.memory_space<hbm>> -> memref<1x64xf32, #tpu.memory_space<hbm>>
      tpu.enqueue_dma source(%dma_start3A_159 : memref<1x64xf32, #tpu.memory_space<hbm>>) target(%dma_start3A_157 : memref<1x64xf32, #tpu.memory_space<vmem>>) target_semaphore(%arg16 : memref<!tpu.dma_semaphore, #tpu.memory_space<semaphore_mem>>)
      %dma_start3A_160 = arith.constant 0 : i32
      %dma_start3A_161 = tpu.memref_slice %arg13[%scan3A_129, %dma_start3A_160] : memref<128x64xf32, #tpu.memory_space<vmem>> -> memref<1x64xf32, #tpu.memory_space<vmem>>
      %dma_start3A_162 = arith.constant 0 : i32
      %dma_start3A_163 = tpu.memref_slice %arg2[%squeeze3A_144, %dma_start3A_162] : memref<1000000x64xf32, #tpu.memory_space<hbm>> -> memref<1x64xf32, #tpu.memory_space<hbm>>
      %dma_start3A_164 = arith.constant 0 : i32
      %dma_start3A_165 = tpu.memref_slice %arg13[%scan3A_129, %dma_start3A_164] : memref<128x64xf32, #tpu.memory_space<vmem>> -> memref<1x64xf32, #tpu.memory_space<vmem>>
      %dma_start3A_166 = arith.constant 0 : i32
      %dma_start3A_167 = tpu.memref_slice %arg2[%squeeze3A_144, %dma_start3A_166] : memref<1000000x64xf32, #tpu.memory_space<hbm>> -> memref<1x64xf32, #tpu.memory_space<hbm>>
      tpu.enqueue_dma source(%dma_start3A_167 : memref<1x64xf32, #tpu.memory_space<hbm>>) target(%dma_start3A_165 : memref<1x64xf32, #tpu.memory_space<vmem>>) target_semaphore(%arg17 : memref<!tpu.dma_semaphore, #tpu.memory_space<semaphore_mem>>)
    }
    %scan3A_102 = arith.constant 128 : i32
    %dma_wait3A_103 = arith.constant 0 : i32
    %dma_wait3A_104 = arith.constant 0 : i32
    %dma_wait3A_105 = tpu.memref_slice %arg2[%dma_wait3A_103, %dma_wait3A_104] : memref<1000000x64xf32, #tpu.memory_space<hbm>> -> memref<128x64xf32, #tpu.memory_space<hbm>>
    %dma_wait3A_106 = arith.constant 0 : i32
    %dma_wait3A_107 = arith.constant 0 : i32
    %dma_wait3A_108 = tpu.memref_slice %arg2[%dma_wait3A_106, %dma_wait3A_107] : memref<1000000x64xf32, #tpu.memory_space<hbm>> -> memref<128x64xf32, #tpu.memory_space<hbm>>
    tpu.wait_dma2 semaphore(%arg15 : memref<!tpu.dma_semaphore, #tpu.memory_space<semaphore_mem>>) src(%dma_wait3A_108 : memref<128x64xf32, #tpu.memory_space<hbm>>) dst(%arg11 : memref<128x64xf32, #tpu.memory_space<vmem>>)
    %dma_wait3A_109 = arith.constant 0 : i32
    %dma_wait3A_110 = arith.constant 0 : i32
    %dma_wait3A_111 = tpu.memref_slice %arg3[%dma_wait3A_109, %dma_wait3A_110] : memref<1000x64xf32, #tpu.memory_space<hbm>> -> memref<128x64xf32, #tpu.memory_space<hbm>>
    %dma_wait3A_112 = arith.constant 0 : i32
    %dma_wait3A_113 = arith.constant 0 : i32
    %dma_wait3A_114 = tpu.memref_slice %arg3[%dma_wait3A_112, %dma_wait3A_113] : memref<1000x64xf32, #tpu.memory_space<hbm>> -> memref<128x64xf32, #tpu.memory_space<hbm>>
    tpu.wait_dma2 semaphore(%arg16 : memref<!tpu.dma_semaphore, #tpu.memory_space<semaphore_mem>>) src(%dma_wait3A_114 : memref<128x64xf32, #tpu.memory_space<hbm>>) dst(%arg12 : memref<128x64xf32, #tpu.memory_space<vmem>>)
    %dma_wait3A_115 = arith.constant 0 : i32
    %dma_wait3A_116 = arith.constant 0 : i32
    %dma_wait3A_117 = tpu.memref_slice %arg2[%dma_wait3A_115, %dma_wait3A_116] : memref<1000000x64xf32, #tpu.memory_space<hbm>> -> memref<128x64xf32, #tpu.memory_space<hbm>>
    %dma_wait3A_118 = arith.constant 0 : i32
    %dma_wait3A_119 = arith.constant 0 : i32
    %dma_wait3A_120 = tpu.memref_slice %arg2[%dma_wait3A_118, %dma_wait3A_119] : memref<1000000x64xf32, #tpu.memory_space<hbm>> -> memref<128x64xf32, #tpu.memory_space<hbm>>
    tpu.wait_dma2 semaphore(%arg17 : memref<!tpu.dma_semaphore, #tpu.memory_space<semaphore_mem>>) src(%dma_wait3A_120 : memref<128x64xf32, #tpu.memory_space<hbm>>) dst(%arg13 : memref<128x64xf32, #tpu.memory_space<vmem>>)
    %scan3A_121 = arith.constant 0 : i32
    %scan3A_122 = arith.constant 0 : i32
    %scan3A_123 = arith.constant 128 : i32
    %scan3A_124 = arith.addi %scan3A_122, %scan3A_123 : i32
    %scan3A_125 = arith.constant 1 : i32
    scf.for %scan3A_129 = %scan3A_122 to %scan3A_124 step %scan3A_125  : i32 {
      %get3A = arith.index_cast %scan3A_129 : i32 to index
      %get3A_130 = arith.constant 0 : index
      %get3A_131 = tpu.vector_load %arg11[%get3A, %get3A_130] {strides = array<i32>} : memref<128x64xf32, #tpu.memory_space<vmem>>, vector<16xf32>,
      %get3A_132 = arith.index_cast %scan3A_129 : i32 to index
      %get3A_133 = arith.constant 0 : index
      %get3A_134 = tpu.vector_load %arg12[%get3A_132, %get3A_133] {strides = array<i32>} : memref<128x64xf32, #tpu.memory_space<vmem>>, vector<16xf32>,
      %add3A_135 = arith.addf %get3A_131, %get3A_134 : vector<16xf32>
      %get3A_136 = arith.index_cast %scan3A_129 : i32 to index
      %get3A_137 = arith.constant 0 : index
      %get3A_138 = tpu.vector_load %arg13[%get3A_136, %get3A_137] {strides = array<i32>} : memref<128x64xf32, #tpu.memory_space<vmem>>, vector<16xf32>,
      %add3A_139 = arith.addf %add3A_135, %get3A_138 : vector<16xf32>
      %swap3A = arith.index_cast %scan3A_129 : i32 to index
      %swap3A_140 = arith.constant 0 : index
      %swap3A_141 = tpu.vector_load %arg14[%swap3A, %swap3A_140] {strides = array<i32>} : memref<128x128xf32, #tpu.memory_space<vmem>>, vector<16xf32>,
      tpu.vector_store %arg14[%swap3A, %swap3A_140], %add3A_139 {strides = array<i32>} : memref<128x128xf32, #tpu.memory_space<vmem>>, vector<16xf32>,
      %get3A_142 = arith.index_cast %scan3A_129 : i32 to index
      %get3A_143 = arith.constant 16 : index
      %get3A_144 = tpu.vector_load %arg11[%get3A_142, %get3A_143] {strides = array<i32>} : memref<128x64xf32, #tpu.memory_space<vmem>>, vector<16xf32>,
      %get3A_145 = arith.index_cast %scan3A_129 : i32 to index
      %get3A_146 = arith.constant 16 : index
      %get3A_147 = tpu.vector_load %arg12[%get3A_145, %get3A_146] {strides = array<i32>} : memref<128x64xf32, #tpu.memory_space<vmem>>, vector<16xf32>,
      %add3A_148 = arith.addf %get3A_144, %get3A_147 : vector<16xf32>
      %get3A_149 = arith.index_cast %scan3A_129 : i32 to index
      %get3A_150 = arith.constant 16 : index
      %get3A_151 = tpu.vector_load %arg13[%get3A_149, %get3A_150] {strides = array<i32>} : memref<128x64xf32, #tpu.memory_space<vmem>>, vector<16xf32>,
      %add3A_152 = arith.addf %add3A_148, %get3A_151 : vector<16xf32>
      %swap3A_153 = arith.index_cast %scan3A_129 : i32 to index
      %swap3A_154 = arith.constant 16 : index
      %swap3A_155 = tpu.vector_load %arg14[%swap3A_153, %swap3A_154] {strides = array<i32>} : memref<128x128xf32, #tpu.memory_space<vmem>>, vector<16xf32>,
      tpu.vector_store %arg14[%swap3A_153, %swap3A_154], %add3A_152 {strides = array<i32>} : memref<128x128xf32, #tpu.memory_space<vmem>>, vector<16xf32>,
      %get3A_156 = arith.index_cast %scan3A_129 : i32 to index
      %get3A_157 = arith.constant 32 : index
      %get3A_158 = tpu.vector_load %arg11[%get3A_156, %get3A_157] {strides = array<i32>} : memref<128x64xf32, #tpu.memory_space<vmem>>, vector<16xf32>,
      %get3A_159 = arith.index_cast %scan3A_129 : i32 to index
      %get3A_160 = arith.constant 32 : index
      %get3A_161 = tpu.vector_load %arg12[%get3A_159, %get3A_160] {strides = array<i32>} : memref<128x64xf32, #tpu.memory_space<vmem>>, vector<16xf32>,
      %add3A_162 = arith.addf %get3A_158, %get3A_161 : vector<16xf32>
      %get3A_163 = arith.index_cast %scan3A_129 : i32 to index
      %get3A_164 = arith.constant 32 : index
      %get3A_165 = tpu.vector_load %arg13[%get3A_163, %get3A_164] {strides = array<i32>} : memref<128x64xf32, #tpu.memory_space<vmem>>, vector<16xf32>,
      %add3A_166 = arith.addf %add3A_162, %get3A_165 : vector<16xf32>
      %swap3A_167 = arith.index_cast %scan3A_129 : i32 to index
      %swap3A_168 = arith.constant 32 : index
      %swap3A_169 = tpu.vector_load %arg14[%swap3A_167, %swap3A_168] {strides = array<i32>} : memref<128x128xf32, #tpu.memory_space<vmem>>, vector<16xf32>,
      tpu.vector_store %arg14[%swap3A_167, %swap3A_168], %add3A_166 {strides = array<i32>} : memref<128x128xf32, #tpu.memory_space<vmem>>, vector<16xf32>,
      %get3A_170 = arith.index_cast %scan3A_129 : i32 to index
      %get3A_171 = arith.constant 48 : index
      %get3A_172 = tpu.vector_load %arg11[%get3A_170, %get3A_171] {strides = array<i32>} : memref<128x64xf32, #tpu.memory_space<vmem>>, vector<16xf32>,
      %get3A_173 = arith.index_cast %scan3A_129 : i32 to index
      %get3A_174 = arith.constant 48 : index
      %get3A_175 = tpu.vector_load %arg12[%get3A_173, %get3A_174] {strides = array<i32>} : memref<128x64xf32, #tpu.memory_space<vmem>>, vector<16xf32>,
      %add3A_176 = arith.addf %get3A_172, %get3A_175 : vector<16xf32>
      %get3A_177 = arith.index_cast %scan3A_129 : i32 to index
      %get3A_178 = arith.constant 48 : index
      %get3A_179 = tpu.vector_load %arg13[%get3A_177, %get3A_178] {strides = array<i32>} : memref<128x64xf32, #tpu.memory_space<vmem>>, vector<16xf32>,
      %add3A_180 = arith.addf %add3A_176, %get3A_179 : vector<16xf32>
      %swap3A_181 = arith.index_cast %scan3A_129 : i32 to index
      %swap3A_182 = arith.constant 48 : index
      %swap3A_183 = tpu.vector_load %arg14[%swap3A_181, %swap3A_182] {strides = array<i32>} : memref<128x128xf32, #tpu.memory_space<vmem>>, vector<16xf32>,
      tpu.vector_store %arg14[%swap3A_181, %swap3A_182], %add3A_180 {strides = array<i32>} : memref<128x128xf32, #tpu.memory_space<vmem>>, vector<16xf32>,
    }
    %scan3A_126 = arith.constant 128 : i32
    %add3A_127 = arith.constant 384 : i32
    %add3A_128 = arith.addi %mul3A_2, %add3A_127 : i32
    "tpu.region"() ({
      %run_scoped3A = tpu.sem_alloc : memref<!tpu.dma_semaphore, #tpu.memory_space<semaphore_mem>>
      %dma_start3A = arith.constant 0 : i32
      %dma_start3A_129 = tpu.memref_slice %arg7[%add3A_128, %dma_start3A] : memref<16384x128xf32, #tpu.memory_space<hbm>> -> memref<128x128xf32, #tpu.memory_space<hbm>>
      %dma_start3A_130 = arith.constant 0 : i32
      %dma_start3A_131 = tpu.memref_slice %arg7[%add3A_128, %dma_start3A_130] : memref<16384x128xf32, #tpu.memory_space<hbm>> -> memref<128x128xf32, #tpu.memory_space<hbm>>
      tpu.enqueue_dma source(%arg14 : memref<128x128xf32, #tpu.memory_space<vmem>>) target(%dma_start3A_131 : memref<128x128xf32, #tpu.memory_space<hbm>>) target_semaphore(%run_scoped3A : memref<!tpu.dma_semaphore, #tpu.memory_space<semaphore_mem>>)
      %dma_wait3A_132 = arith.constant 0 : i32
      %dma_wait3A_133 = tpu.memref_slice %arg7[%add3A_128, %dma_wait3A_132] : memref<16384x128xf32, #tpu.memory_space<hbm>> -> memref<128x128xf32, #tpu.memory_space<hbm>>
      %dma_wait3A_134 = arith.constant 0 : i32
      %dma_wait3A_135 = tpu.memref_slice %arg7[%add3A_128, %dma_wait3A_134] : memref<16384x128xf32, #tpu.memory_space<hbm>> -> memref<128x128xf32, #tpu.memory_space<hbm>>
      tpu.wait_dma2 semaphore(%run_scoped3A : memref<!tpu.dma_semaphore, #tpu.memory_space<semaphore_mem>>) src(%arg14 : memref<128x128xf32, #tpu.memory_space<vmem>>) dst(%dma_wait3A_135 : memref<128x128xf32, #tpu.memory_space<hbm>>)
      tpu.yield
    }) : () -> ()
    return
  }
}

</mosaic_0001>

<sc_bundles>
// kernel: kernel.3.cloned.1.call-start
scs
__scs_entry_jumppad:
0x0: {  	(pc) =	sbr.rel $0x88, $3  }
0x1: {  	(tag) =	ssettag $0x0;
	lr =	simm.s32 $0x1  }
0x2: {  	[smem:$0x3F9C] =	sst lr;
	_ =	strace $0xD0000000  }
0x3: {  	_ = 	snop  }
0x4: {  	_ = 	snop  }
0x5: {  	_ = 	snop  }
0x6: {  	_ = 	snop  }
0x7: {  	_ = 	snop  }
__scs_overlays_trampoline_lowered:
0x8: {  	[smem:$0x3FAB] =	sst s0  }
0x9: {  	[smem:$0x3FAC] =	sst s1  }
0xa: {  	[smem:$0x3FAD] =	sst s2  }
0xb: {  	[smem:$0x3FAE] =	sst s3  }
0xc: {  	[smem:$0x3FAF] =	sst s4  }
0xd: {  	[smem:$0x3FB0] =	sst s5  }
0xe: {  	[smem:$0x3FB1] =	sst s6  }
0xf: {  	[smem:$0x3FB2] =	sst s7  }
0x10: {  	[smem:$0x3FB3] =	sst s8  }
0x11: {  	[smem:$0x3FB4] =	sst s9;
	s0 =	simm.s32 @!p0 $0x0  }
0x12: {  	s1 =	sld [smem:$0x3F9A];
	s0 =	simm.s32 @p0 $0x1  }
0x13: {  	[smem:$0x3FB5] =	sst s0;
	s0 =	simm.s32 @!p1 $0x0  }
0x14: {  	s2 =	sld [smem:$0x3F99];
	s0 =	simm.s32 @p1 $0x1  }
0x15: {  	[smem:$0x3FB6] =	sst s0;
	s0 =	simm.s32 @!p2 $0x0  }
0x16: {  	s3 =	sld [smem:$0x3FDB];
	s0 =	simm.s32 @p2 $0x1  }
0x17: {  	s4 =	simm.s32 $0x1BF5;
	[smem:$0x3FB8] =	sst s0  }
0x18: {  	s0 =	sld [smem:$0x3F9B];
	_ =	swait.ge [sflag:s4], $0x0  }
0x19: {  	s7 =	sld [smem:$0x3F9C]  }
0x1a: {  	s8 =	sadd.s32 $0xFFFFE003, lr  }
0x1b: {  	s9 =	sadd.s32 $0xFFFFFEF7, lr;
	s5 =	simm.s32 $0xFFFFFFFF;
	p2 =	slt.u32 s8, $0xFFFFF086  }
0x1c: {  	p1 =	slt.u32 s9, $0xF7A;
	s5 =	simm.s32 @!p2 $0x0  }
0x1d: {  	s5 =	simm.s32 @p1 $0x1;
	p0 =	seq.s32 s7, s2  }
0x1e: {  	s7 =	smul.u32 @!p0 $0xF7A, s2;
	p2 =	seq.s32 @!p0 s5, $0x0  }
0x1f: {  	s9 =	smul.u32 $0xF7A, s1;
	s8 =	simm.s32 @!p0 $0x1BF5;
	p2 =	por !p2, p0  }
0x20: {  	[sflag:s8] =	ssyncset.s32 @!p0 $0xFFFFF086;
	s6 =	sadd.s32 @!p0 s3, s7;
	s7 =	simm.s32 @!p0 $0x108  }
0x21: {  	s3 =	sadd.s32 s3, s9;
	s6 =	sadd.s32 @!p0 $0x88, s6;
	s7 =	simm.s32 @p2 $0x1082  }
0x22: {  	[simem:s7], [sflag:s8] =	dma.local @!p0 [hbm:s6], $0xF7A  }
0x23: {  	s9 =	sor.u32 $0xD0000000, s2;
	s6 =	simm.s32 $0x108;
	_ =	swait.ge @!p0 [sflag:s8], $0x0  }
0x24: {  	s3 =	sadd.s32 $0x88, s3;
	s6 =	simm.s32 @!p1 $0x1082;
	[sflag:s4] =	ssyncset.s32 $0xFFFFF086  }
0x25: {  	[simem:s6], [sflag:s4] =	dma.local [hbm:s3], $0xF7A  }
0x26: {  	[smem:$0x3F9C] =	sst s1;
	(tag) =	ssettag s2;
	_ =	strace s9  }
0x27: {  	s1 =	sld [smem:$0x3FAC]  }
0x28: {  	s2 =	sld [smem:$0x3FAD]  }
0x29: {  	s4 =	sld [smem:$0x3FAF]  }
0x2a: {  	p0 =	seq.s32 s5, $0x0;
	s5 =	sld [smem:$0x3FB0]  }
0x2b: {  	s6 =	sld [smem:$0x3FB1]  }
0x2c: {  	s7 =	sld [smem:$0x3FB2]  }
0x2d: {  	s3 =	simm.s32 $0x108;
	s8 =	sld [smem:$0x3FB3]  }
0x2e: {  	s3 =	simm.s32 @!p0 $0x1082;
	s9 =	sld [smem:$0x3FB4]  }
0x2f: {  	lr =	sadd.s32 s0, s3;
	s0 =	sld [smem:$0x3FAB]  }
0x30: {  	s3 =	sld [smem:$0x3FAE]  }
0x31: {  	[smem:$0x3FB7] =	sst s10  }
0x32: {  	s10 =	sld [smem:$0x3FB5];
	_ =	sdelay $0x3  }
0x33: {  	p0 =	seq.s32 s10, $0x1;
	s10 =	sld [smem:$0x3FB7];
	_ =	sdelay $0x3  }
0x34: {  	[smem:$0x3FB7] =	sst s10  }
0x35: {  	s10 =	sld [smem:$0x3FB6];
	_ =	sdelay $0x3  }
0x36: {  	p1 =	seq.s32 s10, $0x1;
	s10 =	sld [smem:$0x3FB7];
	_ =	sdelay $0x3  }
0x37: {  	[smem:$0x3FB7] =	sst s10  }
0x38: {  	s10 =	sld [smem:$0x3FB8]  }
0x39: {  	_ = 	snop;
	(pc) =	sbr.ind lr, $3  }
0x3a: {  	_ = 	snop  }
0x3b: {  	_ = 	snop  }
0x3c: {  	p2 =	seq.s32 s10, $0x1;
	s10 =	sld [smem:$0x3FB7]  }
0x3d: {  	_ =	shalt  }
0x3e: {  	_ =	shalt  }
0x3f: {  	_ =	shalt  }
0x40: {  	_ =	shalt  }
0x41: {  	_ =	shalt  }
0x42: {  	_ =	shalt  }
0x43: {  	_ =	shalt  }
0x44: {  	_ =	shalt  }
0x45: {  	_ =	shalt  }
0x46: {  	_ =	shalt  }
0x47: {  	_ =	shalt  }
0x48: {  	_ =	shalt  }
0x49: {  	_ =	shalt  }
0x4a: {  	_ =	shalt  }
0x4b: {  	_ =	shalt  }
0x4c: {  	_ =	shalt  }
0x4d: {  	_ =	shalt  }
0x4e: {  	_ =	shalt  }
0x4f: {  	_ =	shalt  }
0x50: {  	_ =	shalt  }
0x51: {  	_ =	shalt  }
0x52: {  	_ =	shalt  }
0x53: {  	_ =	shalt  }
0x54: {  	_ =	shalt  }
0x55: {  	_ =	shalt  }
0x56: {  	_ =	shalt  }
0x57: {  	_ =	shalt  }
0x58: {  	_ =	shalt  }
0x59: {  	_ =	shalt  }
0x5a: {  	_ =	shalt  }
0x5b: {  	_ =	shalt  }
0x5c: {  	_ =	shalt  }
0x5d: {  	_ =	shalt  }
0x5e: {  	_ =	shalt  }
0x5f: {  	_ =	shalt  }
0x60: {  	_ =	shalt  }
0x61: {  	_ =	shalt  }
0x62: {  	_ =	shalt  }
0x63: {  	_ =	shalt  }
0x64: {  	_ =	shalt  }
0x65: {  	_ =	shalt  }
0x66: {  	_ =	shalt  }
0x67: {  	_ =	shalt  }
0x68: {  	_ =	shalt  }
0x69: {  	_ =	shalt  }
0x6a: {  	_ =	shalt  }
0x6b: {  	_ =	shalt  }
0x6c: {  	_ =	shalt  }
0x6d: {  	_ =	shalt  }
0x6e: {  	_ =	shalt  }
0x6f: {  	_ =	shalt  }
0x70: {  	_ =	shalt  }
0x71: {  	_ =	shalt  }
0x72: {  	_ =	shalt  }
0x73: {  	_ =	shalt  }
0x74: {  	_ =	shalt  }
0x75: {  	_ =	shalt  }
0x76: {  	_ =	shalt  }
0x77: {  	_ =	shalt  }
0x78: {  	_ =	shalt  }
0x79: {  	_ =	shalt  }
0x7a: {  	_ =	shalt  }
0x7b: {  	_ =	shalt  }
0x7c: {  	_ =	shalt  }
0x7d: {  	_ =	shalt  }
0x7e: {  	_ =	shalt  }
0x7f: {  	_ =	shalt  }
0x80: {  	_ =	shalt  }
0x81: {  	_ =	shalt  }
0x82: {  	_ =	shalt  }
0x83: {  	_ =	shalt  }
0x84: {  	_ =	shalt  }
0x85: {  	_ =	shalt  }
0x86: {  	_ =	shalt  }
0x87: {  	_ =	shalt  }
.Lfunc_end0:
.L_simem_size_0:
called_computation_lowered:
.L_overlay_start_0:
0x88: {  	s2 =	sld [smem:$0x3FD9]  }
0x89: {  	s3 =	sld [smem:$0x3FFE];
	_ =	sdelay $0x1  }
0x8a: {  	s1 =	srdreg.scid  }
0x8b: {  	s0 =	sand.u32 $0x1, s1  }
0x8c: {  	s17 =	sshll.u32 s0, $0xA;
	s2 =	sadd.s32 s3, s2  }
0x8d: {  	s2 =	sadd.s32 s2, s17  }
0x8e: {  	[smem:$0x3FC3] =	sst s2  }
0x8f: {  	_ = 	snop  }
0x90: {  	s2 =	sld [smem:$0x3FC9]  }
0x91: {  	s18 =	sld [smem:$0x3FC8]  }
0x92: {  	s4 =	sld [smem:$0x3FC7]  }
0x93: {  	s5 =	sld [smem:$0x3FD0];
	(tm) =	ssettm $0x1  }
0x94: {  	s6 =	sld [smem:$0x3FFB];
	_ =	sdelay $0x3  }
0x95: {  	_ =	strace s6  }
0x96: {  	s6 =	sld [smem:$0x3FFC];
	_ =	sdelay $0x3  }
0x97: {  	_ =	strace s6  }
0x98: {  	s6 =	sld [smem:$0x3FFD];
	_ =	sdelay $0x3  }
0x99: {  	_ =	strace s6  }
0x9a: {  	_ =	strace $0x8FFFFFFF  }
0x9b: {  	s19 =	sld [smem:$0x3FDB];
	_ =	sdelay $0x1  }
0x9c: {  	s7 =	simm.s32 $_scs_section_size  }
0x9d: {  	s8 =	simm.s32 $_size__tile_overlayer_lowered;
	s9 =	simm.s32 $_tile_overlayer_lowered  }
0x9e: {  	s22 =	simm.s32 $0x1BFF;
	s21 =	sshll.u32 s9, $0x1;
	s6 =	sadd.s32 s7, s19  }
0x9f: {  	s10 =	simm.s32 $0x0;
	s20 =	sshll.u32 s8, $0x1;
	s8 =	sadd.s32 s21, s6  }
0xa0: {  	[timem:s10], [sflag:s22] =	dma.local [hbm:s8], s20  }
0xa1: {  	_ =	swait.ge [sflag:s22], s20  }
0xa2: {  	s7 =	ssub.s32 $0x0, s20;
	[sflag:s22] =	ssyncset.done $0x0  }
0xa3: {  	[sflag:s22] =	ssyncadd.s32 s7;
	_ =	sdelay $0x1  }
0xa4: {  	s23 =	simm.s32 $0x1B8B  }
0xa5: {  	_ =	swait.ge [sflag:s23], $0x1  }
0xa6: {  	[sflag:s23] =	ssyncset.done $0x0  }
0xa7: {  	s25 =	simm.s32 $0x1B8E;
	s24 =	sld [smem:$0x3FFE];
	[sflag:s23] =	ssyncadd.s32 $0xFFFFFFFF  }
0xa8: {  	s26 =	simm.s32 $execute0_lowered;
	[smem:$0x3FD2] =	sst s25  }
0xa9: {  	s8 =	sshll.u32 s26, $0x1;
	_ =	strace $0x80000046;
	[dreg:$0x1] =	wrdreg $0xFFFFFFFF  }
0xaa: {  	s28 =	simm.s32 $_size_execute0_lowered;
	s6 =	sadd.s32 s6, s8;
	[dreg:$0x0] =	wrdreg $0x0  }
0xab: {  	s8 =	sshll.u32 s28, $0x1;
	[dreg:$0x2] =	wrdreg s6  }
0xac: {  	[dreg:$0x3] =	wrdreg s8  }
0xad: {  	[dreg:$0x4] =	wrdreg $0xC0  }
0xae: {  	_ =	task [dreg:s10], $0x5FFFF  }
0xaf: {  	[dreg:$0x1] =	wrdreg $0xFFFFFFFF  }
0xb0: {  	[dreg:$0x0] =	wrdreg $0x60  }
0xb1: {  	[dreg:$0x2] =	wrdreg s24  }
0xb2: {  	[dreg:$0x3] =	wrdreg s5  }
0xb3: {  	[dreg:$0x4] =	wrdreg s2  }
0xb4: {  	[dreg:$0x5] =	wrdreg s18  }
0xb5: {  	[dreg:$0x6] =	wrdreg s4  }
0xb6: {  	[dreg:$0x7] =	wrdreg $0x9  }
0xb7: {  	_ =	task.clear_ibuf [dreg:s10], $0x8FFFF;
	_ =	strace $0x90000046  }
0xb8: {  	s29 =	simm.s32 $0x9;
	_ =	strace $0x80000048  }
0xb9: {  	_ =	swait.ge [sflag:s29], $0x1  }
0xba: {  	[sflag:s29] =	ssyncadd.s32 $0xFFFFFFFF  }
0xbb: {  	_ =	strace $0x90000048  }
0xbc: {  	_ =	sfence  }
0xbd: {  	s30 =	sld [smem:$0x0];
	_ =	sdelay $0x2  }
0xbe: {  	s31 =	sshll.u32 s1, $0xD;
	s1 =	sshrl.u32 s1, $0x2  }
0xbf: {  	s3 =	sand.u32 $0x4000, s31;
	s1 =	sadd.s32 s1, s30  }
0xc0: {  	s0 =	sor.u32 s3, s0;
	s1 =	sshll.u32 s1, $0x11  }
0xc1: {  	s0 =	sor.u32 s1, s0  }
0xc2: {  	s0 =	sadd.s32 $0x8F2B, s0  }
0xc3: {  	[sflag:s0] =	ssyncadd.remote.s32 $0x1  }
0xc4: {  	_ =	sfence.sel $0xFFFF  }
0xc5: {  	[dreg:$0x0] =	wrdreg $0xFFFFFFFF;
	(pc) =	sbr.abs _section_cstart, $3  }
0xc6: {  	[dreg:$0x1] =	wrdreg $0xFFFFFFFF  }
0xc7: {  	_ =	task.clear_ibuf [dreg:s10], $0x2FFFF;
	_ =	strace $0x9FFFFFFF  }
0xc8: {  	(tm) =	ssettm $0x7FFFFFFF  }
0xc9: {  	_ =	shalt  }
tec
execute0_lowered:
.L_overlay_start_1:
0x0: {  	(tag) =	ssettag $0x1  }
0x1: {  	s5 =	rddreg [dreg:$0x0]  }
0x2: {  	s1 =	rddreg [dreg:$0x1]  }
0x3: {  	s6 =	rddreg [dreg:$0x2]  }
0x4: {  	s7 =	rddreg [dreg:$0x3]  }
0x5: {  	s8 =	rddreg [dreg:$0x4]  }
0x6: {  	s0 =	rddreg [dreg:$0x5];
	s3 =	simm.s32 $0x0;
	s4 =	srdreg.scid  }
0x7: {  	s2 =	stileid.u32;
	s13 =	simm.s32 $0x4;
	s14 =	simm.s32 $0x280  }
0x8: {  	s15 =	simm.s32 $0x500;
	s16 =	simm.s32 $0x1;
	s17 =	simm.s32 $0x2  }
0x9: {  	s18 =	simm.s32 $0x3;
	s19 =	simm.s32 $0xC780;
	s20 =	simm.s32 $0x0  }
0xa: {  	[smem:$0x7FF] =	sst s3;
	s9 =	sand.u32 $0x1, s4;
	s10 =	sshll.u32 s2, $0xA  }
0xb: {  	s4 =	sadd.s32 $0x400, s5;
	s11 =	sshll.u32 s9, $0x9;
	s9 =	ssub.s32 $0x2, s9  }
0xc: {  	_ =	strace $0x80000047;
	s10 =	sor.u32 s11, s10;
	s12 =	sshrl.u32 s9, $0x1  }
0xd: {  	s11 =	sshll.u32 s10, $0x4;
	s10 =	sshrl.u32 s10, $0x3;
	s12 =	ssub.s32 s9, s12  }
0xe: {  	s11 =	sadd.s32 s11, s5;
	s5 =	sadd.s32 s6, s10;
	s6 =	sadd.s32 s7, s10  }
0xf: {  	s7 =	sadd.s32 s8, s10;
	s12 =	smax.u32 s12, $0x1;
	s8 =	sadd.s32 $0xF42800, s11  }
0x10: {  	s9 =	sadd.s32 $0xF43000, s11;
	s10 =	sadd.s32 $0xF43800, s11;
	s11 =	sadd.s32 $0xF44000, s11  }
.LBB2_1:
0x11: {  	[tilespmem:s3], [sflag:$0x4] =	stream.linear.gather [hbm4b:s5+s3], $0x200, $0x38;
	[tilespmem:$0x10780] =	vst v63  }
0x12: {  	_ =	swait.ge [sflag:s13], $0x200  }
0x13: {  	[sflag:s13] =	ssyncset.done $0x0  }
0x14: {  	[sflag:s13] =	ssyncadd.s32 $0xFFFFFE00  }
0x15: {  	[tilespmem:s14], [sflag:$0x4] =	stream.linear.gather [hbm4b:s6+s3], $0x200, $0x38;
	[tilespmem:$0x10780] =	vst v63  }
0x16: {  	_ =	swait.ge [sflag:s13], $0x200  }
0x17: {  	[sflag:s13] =	ssyncset.done $0x0  }
0x18: {  	[sflag:s13] =	ssyncadd.s32 $0xFFFFFE00  }
0x19: {  	[tilespmem:s15], [sflag:$0x4] =	stream.linear.gather [hbm4b:s7+s3], $0x200, $0x38;
	[tilespmem:$0x10780] =	vst v63  }
0x1a: {  	_ =	swait.ge [sflag:s13], $0x200  }
0x1b: {  	[sflag:s13] =	ssyncset.done $0x0  }
0x1c: {  	s21 =	simm.s32 $0x0;
	[sflag:s13] =	ssyncadd.s32 $0xFFFFFE00  }
0x1d: {  	v0 =	vld [tilespmem:s21+$0x0]  }
0x1e: {  	v1 =	vld [tilespmem:s21+$0x280]  }
0x1f: {  	v2 =	vld [tilespmem:s21+$0x500];
	_ =	sdelay $0x2  }
0x20: {  	(v2sf) =	vpush v0, $0x0  }
0x21: {  	(v2sf) =	vpush v1, $0x0  }
0x22: {  	(v2sf) =	vpush v2, $0x0;
	_ =	sdelay $0xc  }
0x23: {  	s22 =	spop (v2sf)  }
0x24: {  	s21 =	simm.s32 $0x780;
	s22 =	sshll.u32 s22, $0x4;
	s23 =	spop (v2sf)  }
0x25: {  	s22 =	sand.u32 $0x1FFFFFF0, s22;
	s23 =	sshll.u32 s23, $0x4;
	s24 =	spop (v2sf)  }
0x26: {  	s22 =	sadd.s32 s4, s22;
	s23 =	sand.u32 $0x1FFFFFF0, s23;
	s24 =	sshll.u32 s24, $0x4  }
0x27: {  	[tilespmem:s21], [sflag:$0x1] =	stream.linear.gather [hbm4b:s22+s3], $0x80, $0x38;
	[tilespmem:$0x10780] =	vst v63  }
0x28: {  	s22 =	simm.s32 $0x4780;
	s23 =	sadd.s32 s1, s23;
	s24 =	sand.u32 $0x1FFFFFF0, s24  }
0x29: {  	[tilespmem:s22], [sflag:$0x2] =	stream.linear.gather [hbm4b:s23+s3], $0x80, $0x38;
	[tilespmem:$0x10780] =	vst v63  }
0x2a: {  	s25 =	simm.s32 $0x1;
	s24 =	sadd.s32 s4, s24;
	s23 =	simm.s32 $0x8780  }
0x2b: {  	[tilespmem:s23], [sflag:$0x3] =	stream.linear.gather [hbm4b:s24+s3], $0x80, $0x38;
	[tilespmem:$0x10780] =	vst v63  }
0x2c: {  	s24 =	simm.s32 $0x8;
	v0 =	vld [tilespmem:s25+$0x0]  }
.LBB2_2:
0x2d: {  	p0 =	sne.s32 s24, $0x1FC;
	v1 =	vld [tilespmem:s25+$0x280]  }
0x2e: {  	v2 =	vld [tilespmem:s25+$0x500];
	_ =	sdelay $0x2  }
0x2f: {  	(v2sf) =	vpush v0, $0x0  }
0x30: {  	(v2sf) =	vpush v1, $0x0  }
0x31: {  	(v2sf) =	vpush v2, $0x0;
	_ =	sdelay $0xc  }
0x32: {  	s21 =	sadd.s32 $0x80, s21;
	s25 =	spop (v2sf)  }
0x33: {  	s22 =	sadd.s32 $0x80, s22;
	s25 =	sshll.u32 s25, $0x4;
	s26 =	spop (v2sf)  }
0x34: {  	s25 =	sand.u32 $0x1FFFFFF0, s25;
	s26 =	sshll.u32 s26, $0x4;
	s28 =	spop (v2sf)  }
0x35: {  	s25 =	sadd.s32 s4, s25;
	s26 =	sand.u32 $0x1FFFFFF0, s26;
	s28 =	sshll.u32 s28, $0x4  }
0x36: {  	[tilespmem:s21], [sflag:$0x1] =	stream.linear.gather [hbm4b:s25+s3], $0x80, $0x38;
	[tilespmem:$0x10780] =	vst v63  }
.Ltmp0:
0x37: {  	s25 =	sadd.s32 s1, s26;
	s26 =	sand.u32 $0x1FFFFFF0, s28;
	(pc) =	sbr.rel @p0 .LBB2_2-.Ltmp0, $4  }
0x38: {  	[tilespmem:s22], [sflag:$0x2] =	stream.linear.gather [hbm4b:s25+s3], $0x80, $0x38;
	[tilespmem:$0x10780] =	vst v63  }
0x39: {  	s23 =	sadd.s32 $0x80, s23;
	s26 =	sadd.s32 s4, s26;
	s25 =	sshra.s32 s24, $0x2  }
0x3a: {  	[tilespmem:s23], [sflag:$0x3] =	stream.linear.gather [hbm4b:s26+s3], $0x80, $0x38;
	[tilespmem:$0x10780] =	vst v63  }
0x3b: {  	s24 =	sadd.s32 $0x4, s24;
	v0 =	vld [tilespmem:s25+$0x0]  }
0x3c: {  	v1 =	vld [tilespmem:s25+$0x280]  }
0x3d: {  	v2 =	vld [tilespmem:s25+$0x500];
	_ =	sdelay $0x2  }
0x3e: {  	(v2sf) =	vpush v0, $0x0  }
0x3f: {  	(v2sf) =	vpush v1, $0x0  }
0x40: {  	(v2sf) =	vpush v2, $0x0;
	_ =	sdelay $0xc  }
0x41: {  	s24 =	spop (v2sf)  }
0x42: {  	s21 =	sadd.s32 $0x80, s21;
	s24 =	sshll.u32 s24, $0x4;
	s26 =	spop (v2sf)  }
0x43: {  	s24 =	sand.u32 $0x1FFFFFF0, s24;
	s25 =	sshll.u32 s26, $0x4;
	s26 =	spop (v2sf)  }
0x44: {  	s24 =	sadd.s32 s4, s24;
	s25 =	sand.u32 $0x1FFFFFF0, s25;
	s26 =	sshll.u32 s26, $0x4  }
0x45: {  	[tilespmem:s21], [sflag:$0x1] =	stream.linear.gather [hbm4b:s24+s3], $0x80, $0x38;
	[tilespmem:$0x10780] =	vst v63  }
0x46: {  	s22 =	sadd.s32 $0x80, s22;
	s28 =	sadd.s32 s1, s25;
	s29 =	sand.u32 $0x1FFFFFF0, s26  }
0x47: {  	[tilespmem:s22], [sflag:$0x2] =	stream.linear.gather [hbm4b:s28+s3], $0x80, $0x38;
	[tilespmem:$0x10780] =	vst v63  }
0x48: {  	s31 =	sadd.s32 $0x80, s23;
	s30 =	sadd.s32 s4, s29  }
0x49: {  	[tilespmem:s31], [sflag:$0x3] =	stream.linear.gather [hbm4b:s30+s3], $0x80, $0x38;
	[tilespmem:$0x10780] =	vst v63  }
0x4a: {  	_ =	swait.ge [sflag:s16], $0x4000  }
0x4b: {  	[sflag:s16] =	ssyncset.done $0x0  }
0x4c: {  	[sflag:s16] =	ssyncadd.s32 $0xFFFFC000  }
0x4d: {  	_ =	swait.ge [sflag:s17], $0x4000  }
0x4e: {  	[sflag:s17] =	ssyncset.done $0x0  }
0x4f: {  	[sflag:s17] =	ssyncadd.s32 $0xFFFFC000  }
0x50: {  	_ =	swait.ge [sflag:s18], $0x4000  }
0x51: {  	[sflag:s18] =	ssyncset.done $0x0  }
0x52: {  	s21 =	simm.s32 $0x0;
	[sflag:s18] =	ssyncadd.s32 $0xFFFFC000  }
0x53: {  	v0 =	vld [tilespmem:s21+$0x7B0]  }
0x54: {  	v1 =	vld [tilespmem:s21+$0x47B0]  }
0x55: {  	v6 =	vld [tilespmem:s21+$0x780]  }
0x56: {  	v3 =	vld [tilespmem:s21+$0x87B0]  }
0x57: {  	v7 =	vld [tilespmem:s21+$0x4780]  }
0x58: {  	v8 =	vld [tilespmem:s21+$0x790]  }
0x59: {  	v9 =	vld [tilespmem:s21+$0x4790]  }
0x5a: {  	v2 =	vld [tilespmem:s21+$0x47A0];
	v1 =	vadd.f32 v1, v0  }
0x5b: {  	v0 =	vld [tilespmem:s21+$0x7A0]  }
0x5c: {  	v5 =	vld [tilespmem:s21+$0x8780];
	v1 =	vadd.f32 v3, v1  }
0x5d: {  	v3 =	vld [tilespmem:s21+$0x8790]  }
0x5e: {  	s22 =	simm.s32 $0x80;
	v4 =	vld [tilespmem:s21+$0x87A0];
	[tilespmem:s21+$0xC7B0] =	vst v1  }
0x5f: {  	s23 =	simm.s32 $0x400;
	v6 =	vadd.f32 v7, v6;
	v7 =	vadd.f32 v9, v8;
	v1 =	vld [tilespmem:s22+$0x7B0]  }
.LBB2_4:
0x60: {  	p0 =	sne.s32 s23, $0xFE00;
	v8 =	vld [tilespmem:s22+$0x47B0];
	v0 =	vadd.f32 v2, v0  }
0x61: {  	v9 =	vld [tilespmem:s22+$0x780];
	v2 =	vadd.f32 v5, v6  }
0x62: {  	v5 =	vld [tilespmem:s22+$0x87B0];
	v3 =	vadd.f32 v3, v7  }
0x63: {  	v6 =	vld [tilespmem:s22+$0x4780];
	[tilespmem:s21+$0xC780] =	vst v2;
	v0 =	vadd.f32 v4, v0  }
0x64: {  	v4 =	vld [tilespmem:s22+$0x790];
	[tilespmem:s21+$0xC790] =	vst v3  }
0x65: {  	v7 =	vld [tilespmem:s22+$0x4790];
	v1 =	vadd.f32 v8, v1;
	[tilespmem:s21+$0xC7A0] =	vst v0;
	s21 =	smov.u32 s22  }
0x66: {  	v0 =	vld [tilespmem:s21+$0x7A0]  }
.Ltmp1:
0x67: {  	v2 =	vld [tilespmem:s21+$0x47A0];
	v1 =	vadd.f32 v5, v1;
	(pc) =	sbr.rel @p0 .LBB2_4-.Ltmp1, $4  }
0x68: {  	v6 =	vadd.f32 v6, v9;
	v5 =	vld [tilespmem:s21+$0x8780]  }
0x69: {  	v3 =	vld [tilespmem:s21+$0x8790];
	[tilespmem:s21+$0xC7B0] =	vst v1  }
0x6a: {  	s22 =	sshra.s32 s23, $0x2;
	v7 =	vadd.f32 v7, v4;
	v4 =	vld [tilespmem:s21+$0x87A0]  }
0x6b: {  	s23 =	sadd.s32 $0x200, s23;
	v1 =	vld [tilespmem:s22+$0x7B0]  }
0x6c: {  	v8 =	vld [tilespmem:s22+$0x47B0]  }
0x6d: {  	v9 =	vld [tilespmem:s22+$0x780];
	v0 =	vadd.f32 v2, v0;
	v5 =	vadd.f32 v5, v6  }
0x6e: {  	v60 =	vld [tilespmem:s22+$0x87B0];
	v2 =	vadd.f32 v3, v7  }
0x6f: {  	v10 =	vld [tilespmem:s22+$0x4780];
	[tilespmem:s21+$0xC780] =	vst v5;
	v0 =	vadd.f32 v4, v0  }
0x70: {  	v3 =	vld [tilespmem:s22+$0x790];
	[tilespmem:s21+$0xC790] =	vst v2  }
0x71: {  	v2 =	vld [tilespmem:s22+$0x4790];
	[tilespmem:s21+$0xC7A0] =	vst v0  }
0x72: {  	v0 =	vadd.f32 v8, v1;
	v1 =	vld [tilespmem:s22+$0x7A0]  }
0x73: {  	v61 =	vld [tilespmem:s22+$0x47A0]  }
0x74: {  	v5 =	vld [tilespmem:s22+$0x8780];
	v0 =	vadd.f32 v60, v0  }
0x75: {  	v62 =	vld [tilespmem:s22+$0x8790]  }
0x76: {  	[tilespmem:s22+$0xC7B0] =	vst v0;
	v0 =	vld [tilespmem:s22+$0x87A0]  }
0x77: {  	v63 =	vadd.f32 v10, v9  }
0x78: {  	v2 =	vadd.f32 v2, v3  }
0x79: {  	v1 =	vadd.f32 v61, v1;
	v3 =	vadd.f32 v5, v63  }
0x7a: {  	v2 =	vadd.f32 v62, v2  }
0x7b: {  	[tilespmem:s22+$0xC780] =	vst v3;
	v0 =	vadd.f32 v0, v1  }
0x7c: {  	[tilespmem:s22+$0xC790] =	vst v2  }
0x7d: {  	s29 =	simm.s32 $0x0;
	[tilespmem:s22+$0xC7A0] =	vst v0  }
0x7e: {  	[hbm4b:s8+s29] =	stream.linear.scatter [tilespmem:s19], [sflag:$0x4], $0x4000, $0x38;
	[tilespmem:$0x10780] =	vst v63  }
0x7f: {  	_ =	swait.ge [sflag:s13], $0x4000  }
0x80: {  	[sflag:s13] =	ssyncset.done $0x0  }
0x81: {  	s30 =	simm.s32 $0x0;
	[sflag:s13] =	ssyncadd.s32 $0xFFFFC000  }
0x82: {  	v0 =	vld [tilespmem:s30+$0x80]  }
0x83: {  	v1 =	vld [tilespmem:s30+$0x300]  }
0x84: {  	v2 =	vld [tilespmem:s30+$0x580];
	_ =	sdelay $0x2  }
0x85: {  	(v2sf) =	vpush v0, $0x0  }
0x86: {  	(v2sf) =	vpush v1, $0x0  }
0x87: {  	(v2sf) =	vpush v2, $0x0;
	_ =	sdelay $0xc  }
0x88: {  	s31 =	spop (v2sf)  }
0x89: {  	s21 =	simm.s32 $0x780;
	s22 =	sshll.u32 s31, $0x4;
	s23 =	spop (v2sf)  }
0x8a: {  	s22 =	sand.u32 $0x1FFFFFF0, s22;
	s23 =	sshll.u32 s23, $0x4;
	s24 =	spop (v2sf)  }
0x8b: {  	s22 =	sadd.s32 s4, s22;
	s23 =	sand.u32 $0x1FFFFFF0, s23;
	s24 =	sshll.u32 s24, $0x4  }
0x8c: {  	[tilespmem:s21], [sflag:$0x1] =	stream.linear.gather [hbm4b:s22+s3], $0x80, $0x38;
	[tilespmem:$0x10780] =	vst v63  }
0x8d: {  	s22 =	simm.s32 $0x4780;
	s23 =	sadd.s32 s1, s23;
	s24 =	sand.u32 $0x1FFFFFF0, s24  }
0x8e: {  	[tilespmem:s22], [sflag:$0x2] =	stream.linear.gather [hbm4b:s23+s3], $0x80, $0x38;
	[tilespmem:$0x10780] =	vst v63  }
0x8f: {  	s25 =	simm.s32 $0x1;
	s24 =	sadd.s32 s4, s24;
	s23 =	simm.s32 $0x8780  }
0x90: {  	[tilespmem:s23], [sflag:$0x3] =	stream.linear.gather [hbm4b:s24+s3], $0x80, $0x38;
	[tilespmem:$0x10780] =	vst v63  }
0x91: {  	s24 =	simm.s32 $0x8;
	v0 =	vld [tilespmem:s25+$0x80]  }
.LBB2_6:
0x92: {  	p0 =	sne.s32 s24, $0x1FC;
	v1 =	vld [tilespmem:s25+$0x300]  }
0x93: {  	v2 =	vld [tilespmem:s25+$0x580];
	_ =	sdelay $0x2  }
0x94: {  	(v2sf) =	vpush v0, $0x0  }
0x95: {  	(v2sf) =	vpush v1, $0x0  }
0x96: {  	(v2sf) =	vpush v2, $0x0;
	_ =	sdelay $0xc  }
0x97: {  	s21 =	sadd.s32 $0x80, s21;
	s25 =	spop (v2sf)  }
0x98: {  	s22 =	sadd.s32 $0x80, s22;
	s25 =	sshll.u32 s25, $0x4;
	s26 =	spop (v2sf)  }
0x99: {  	s25 =	sand.u32 $0x1FFFFFF0, s25;
	s26 =	sshll.u32 s26, $0x4;
	s28 =	spop (v2sf)  }
0x9a: {  	s25 =	sadd.s32 s4, s25;
	s26 =	sand.u32 $0x1FFFFFF0, s26;
	s28 =	sshll.u32 s28, $0x4  }
0x9b: {  	[tilespmem:s21], [sflag:$0x1] =	stream.linear.gather [hbm4b:s25+s3], $0x80, $0x38;
	[tilespmem:$0x10780] =	vst v63  }
.Ltmp2:
0x9c: {  	s25 =	sadd.s32 s1, s26;
	s26 =	sand.u32 $0x1FFFFFF0, s28;
	(pc) =	sbr.rel @p0 .LBB2_6-.Ltmp2, $4  }
0x9d: {  	[tilespmem:s22], [sflag:$0x2] =	stream.linear.gather [hbm4b:s25+s3], $0x80, $0x38;
	[tilespmem:$0x10780] =	vst v63  }
0x9e: {  	s23 =	sadd.s32 $0x80, s23;
	s26 =	sadd.s32 s4, s26;
	s25 =	sshra.s32 s24, $0x2  }
0x9f: {  	[tilespmem:s23], [sflag:$0x3] =	stream.linear.gather [hbm4b:s26+s3], $0x80, $0x38;
	[tilespmem:$0x10780] =	vst v63  }
0xa0: {  	s24 =	sadd.s32 $0x4, s24;
	v0 =	vld [tilespmem:s25+$0x80]  }
0xa1: {  	v1 =	vld [tilespmem:s25+$0x300]  }
0xa2: {  	v2 =	vld [tilespmem:s25+$0x580];
	_ =	sdelay $0x2  }
0xa3: {  	(v2sf) =	vpush v0, $0x0  }
0xa4: {  	(v2sf) =	vpush v1, $0x0  }
0xa5: {  	(v2sf) =	vpush v2, $0x0;
	_ =	sdelay $0xc  }
0xa6: {  	s24 =	spop (v2sf)  }
0xa7: {  	s21 =	sadd.s32 $0x80, s21;
	s24 =	sshll.u32 s24, $0x4;
	s26 =	spop (v2sf)  }
0xa8: {  	s24 =	sand.u32 $0x1FFFFFF0, s24;
	s25 =	sshll.u32 s26, $0x4;
	s26 =	spop (v2sf)  }
0xa9: {  	s24 =	sadd.s32 s4, s24;
	s25 =	sand.u32 $0x1FFFFFF0, s25;
	s26 =	sshll.u32 s26, $0x4  }
0xaa: {  	[tilespmem:s21], [sflag:$0x1] =	stream.linear.gather [hbm4b:s24+s3], $0x80, $0x38;
	[tilespmem:$0x10780] =	vst v63  }
0xab: {  	s22 =	sadd.s32 $0x80, s22;
	s28 =	sadd.s32 s1, s25;
	s29 =	sand.u32 $0x1FFFFFF0, s26  }
0xac: {  	[tilespmem:s22], [sflag:$0x2] =	stream.linear.gather [hbm4b:s28+s3], $0x80, $0x38;
	[tilespmem:$0x10780] =	vst v63  }
0xad: {  	s31 =	sadd.s32 $0x80, s23;
	s30 =	sadd.s32 s4, s29  }
0xae: {  	[tilespmem:s31], [sflag:$0x3] =	stream.linear.gather [hbm4b:s30+s3], $0x80, $0x38;
	[tilespmem:$0x10780] =	vst v63  }
0xaf: {  	_ =	swait.ge [sflag:s16], $0x4000  }
0xb0: {  	[sflag:s16] =	ssyncset.done $0x0  }
0xb1: {  	[sflag:s16] =	ssyncadd.s32 $0xFFFFC000  }
0xb2: {  	_ =	swait.ge [sflag:s17], $0x4000  }
0xb3: {  	[sflag:s17] =	ssyncset.done $0x0  }
0xb4: {  	[sflag:s17] =	ssyncadd.s32 $0xFFFFC000  }
0xb5: {  	_ =	swait.ge [sflag:s18], $0x4000  }
0xb6: {  	[sflag:s18] =	ssyncset.done $0x0  }
0xb7: {  	s21 =	simm.s32 $0x0;
	[sflag:s18] =	ssyncadd.s32 $0xFFFFC000  }
0xb8: {  	v0 =	vld [tilespmem:s21+$0x7B0]  }
0xb9: {  	v1 =	vld [tilespmem:s21+$0x47B0]  }
0xba: {  	v6 =	vld [tilespmem:s21+$0x780]  }
0xbb: {  	v3 =	vld [tilespmem:s21+$0x87B0]  }
0xbc: {  	v7 =	vld [tilespmem:s21+$0x4780]  }
0xbd: {  	v8 =	vld [tilespmem:s21+$0x790]  }
0xbe: {  	v9 =	vld [tilespmem:s21+$0x4790]  }
0xbf: {  	v2 =	vld [tilespmem:s21+$0x47A0];
	v1 =	vadd.f32 v1, v0  }
0xc0: {  	v0 =	vld [tilespmem:s21+$0x7A0]  }
0xc1: {  	v5 =	vld [tilespmem:s21+$0x8780];
	v1 =	vadd.f32 v3, v1  }
0xc2: {  	v3 =	vld [tilespmem:s21+$0x8790]  }
0xc3: {  	s22 =	simm.s32 $0x80;
	v4 =	vld [tilespmem:s21+$0x87A0];
	[tilespmem:s21+$0xC7B0] =	vst v1  }
0xc4: {  	s23 =	simm.s32 $0x400;
	v6 =	vadd.f32 v7, v6;
	v7 =	vadd.f32 v9, v8;
	v1 =	vld [tilespmem:s22+$0x7B0]  }
.LBB2_8:
0xc5: {  	p0 =	sne.s32 s23, $0xFE00;
	v8 =	vld [tilespmem:s22+$0x47B0];
	v0 =	vadd.f32 v2, v0  }
0xc6: {  	v9 =	vld [tilespmem:s22+$0x780];
	v2 =	vadd.f32 v5, v6  }
0xc7: {  	v5 =	vld [tilespmem:s22+$0x87B0];
	v3 =	vadd.f32 v3, v7  }
0xc8: {  	v6 =	vld [tilespmem:s22+$0x4780];
	[tilespmem:s21+$0xC780] =	vst v2;
	v0 =	vadd.f32 v4, v0  }
0xc9: {  	v4 =	vld [tilespmem:s22+$0x790];
	[tilespmem:s21+$0xC790] =	vst v3  }
0xca: {  	v7 =	vld [tilespmem:s22+$0x4790];
	v1 =	vadd.f32 v8, v1;
	[tilespmem:s21+$0xC7A0] =	vst v0;
	s21 =	smov.u32 s22  }
0xcb: {  	v0 =	vld [tilespmem:s21+$0x7A0]  }
.Ltmp3:
0xcc: {  	v2 =	vld [tilespmem:s21+$0x47A0];
	v1 =	vadd.f32 v5, v1;
	(pc) =	sbr.rel @p0 .LBB2_8-.Ltmp3, $4  }
0xcd: {  	v6 =	vadd.f32 v6, v9;
	v5 =	vld [tilespmem:s21+$0x8780]  }
0xce: {  	v3 =	vld [tilespmem:s21+$0x8790];
	[tilespmem:s21+$0xC7B0] =	vst v1  }
0xcf: {  	s22 =	sshra.s32 s23, $0x2;
	v7 =	vadd.f32 v7, v4;
	v4 =	vld [tilespmem:s21+$0x87A0]  }
0xd0: {  	s23 =	sadd.s32 $0x200, s23;
	v1 =	vld [tilespmem:s22+$0x7B0]  }
0xd1: {  	v8 =	vld [tilespmem:s22+$0x47B0]  }
0xd2: {  	v9 =	vld [tilespmem:s22+$0x780];
	v0 =	vadd.f32 v2, v0;
	v5 =	vadd.f32 v5, v6  }
0xd3: {  	v60 =	vld [tilespmem:s22+$0x87B0];
	v2 =	vadd.f32 v3, v7  }
0xd4: {  	v10 =	vld [tilespmem:s22+$0x4780];
	[tilespmem:s21+$0xC780] =	vst v5;
	v0 =	vadd.f32 v4, v0  }
0xd5: {  	v3 =	vld [tilespmem:s22+$0x790];
	[tilespmem:s21+$0xC790] =	vst v2  }
0xd6: {  	v2 =	vld [tilespmem:s22+$0x4790];
	[tilespmem:s21+$0xC7A0] =	vst v0  }
0xd7: {  	v0 =	vadd.f32 v8, v1;
	v1 =	vld [tilespmem:s22+$0x7A0]  }
0xd8: {  	v61 =	vld [tilespmem:s22+$0x47A0]  }
0xd9: {  	v5 =	vld [tilespmem:s22+$0x8780];
	v0 =	vadd.f32 v60, v0  }
0xda: {  	v62 =	vld [tilespmem:s22+$0x8790]  }
0xdb: {  	[tilespmem:s22+$0xC7B0] =	vst v0;
	v0 =	vld [tilespmem:s22+$0x87A0]  }
0xdc: {  	v63 =	vadd.f32 v10, v9  }
0xdd: {  	v2 =	vadd.f32 v2, v3  }
0xde: {  	v1 =	vadd.f32 v61, v1;
	v3 =	vadd.f32 v5, v63  }
0xdf: {  	v2 =	vadd.f32 v62, v2  }
0xe0: {  	[tilespmem:s22+$0xC780] =	vst v3;
	v0 =	vadd.f32 v0, v1  }
0xe1: {  	[tilespmem:s22+$0xC790] =	vst v2  }
0xe2: {  	s29 =	simm.s32 $0x0;
	[tilespmem:s22+$0xC7A0] =	vst v0  }
0xe3: {  	[hbm4b:s9+s29] =	stream.linear.scatter [tilespmem:s19], [sflag:$0x4], $0x4000, $0x38;
	[tilespmem:$0x10780] =	vst v63  }
0xe4: {  	_ =	swait.ge [sflag:s13], $0x4000  }
0xe5: {  	[sflag:s13] =	ssyncset.done $0x0  }
0xe6: {  	s30 =	simm.s32 $0x0;
	[sflag:s13] =	ssyncadd.s32 $0xFFFFC000  }
0xe7: {  	v0 =	vld [tilespmem:s30+$0x100]  }
0xe8: {  	v1 =	vld [tilespmem:s30+$0x380]  }
0xe9: {  	v2 =	vld [tilespmem:s30+$0x600];
	_ =	sdelay $0x2  }
0xea: {  	(v2sf) =	vpush v0, $0x0  }
0xeb: {  	(v2sf) =	vpush v1, $0x0  }
0xec: {  	(v2sf) =	vpush v2, $0x0;
	_ =	sdelay $0xc  }
0xed: {  	s31 =	spop (v2sf)  }
0xee: {  	s21 =	simm.s32 $0x780;
	s22 =	sshll.u32 s31, $0x4;
	s23 =	spop (v2sf)  }
0xef: {  	s22 =	sand.u32 $0x1FFFFFF0, s22;
	s23 =	sshll.u32 s23, $0x4;
	s24 =	spop (v2sf)  }
0xf0: {  	s22 =	sadd.s32 s4, s22;
	s23 =	sand.u32 $0x1FFFFFF0, s23;
	s24 =	sshll.u32 s24, $0x4  }
0xf1: {  	[tilespmem:s21], [sflag:$0x1] =	stream.linear.gather [hbm4b:s22+s3], $0x80, $0x38;
	[tilespmem:$0x10780] =	vst v63  }
0xf2: {  	s22 =	simm.s32 $0x4780;
	s23 =	sadd.s32 s1, s23;
	s24 =	sand.u32 $0x1FFFFFF0, s24  }
0xf3: {  	[tilespmem:s22], [sflag:$0x2] =	stream.linear.gather [hbm4b:s23+s3], $0x80, $0x38;
	[tilespmem:$0x10780] =	vst v63  }
0xf4: {  	s25 =	simm.s32 $0x1;
	s24 =	sadd.s32 s4, s24;
	s23 =	simm.s32 $0x8780  }
0xf5: {  	[tilespmem:s23], [sflag:$0x3] =	stream.linear.gather [hbm4b:s24+s3], $0x80, $0x38;
	[tilespmem:$0x10780] =	vst v63  }
0xf6: {  	s24 =	simm.s32 $0x8;
	v0 =	vld [tilespmem:s25+$0x100]  }
.LBB2_10:
0xf7: {  	p0 =	sne.s32 s24, $0x1FC;
	v1 =	vld [tilespmem:s25+$0x380]  }
0xf8: {  	v2 =	vld [tilespmem:s25+$0x600];
	_ =	sdelay $0x2  }
0xf9: {  	(v2sf) =	vpush v0, $0x0  }
0xfa: {  	(v2sf) =	vpush v1, $0x0  }
0xfb: {  	(v2sf) =	vpush v2, $0x0;
	_ =	sdelay $0xc  }
0xfc: {  	s21 =	sadd.s32 $0x80, s21;
	s25 =	spop (v2sf)  }
0xfd: {  	s22 =	sadd.s32 $0x80, s22;
	s25 =	sshll.u32 s25, $0x4;
	s26 =	spop (v2sf)  }
0xfe: {  	s25 =	sand.u32 $0x1FFFFFF0, s25;
	s26 =	sshll.u32 s26, $0x4;
	s28 =	spop (v2sf)  }
0xff: {  	s25 =	sadd.s32 s4, s25;
	s26 =	sand.u32 $0x1FFFFFF0, s26;
	s28 =	sshll.u32 s28, $0x4  }
0x100: {  	[tilespmem:s21], [sflag:$0x1] =	stream.linear.gather [hbm4b:s25+s3], $0x80, $0x38;
	[tilespmem:$0x10780] =	vst v63  }
.Ltmp4:
0x101: {  	s25 =	sadd.s32 s1, s26;
	s26 =	sand.u32 $0x1FFFFFF0, s28;
	(pc) =	sbr.rel @p0 .LBB2_10-.Ltmp4, $4  }
0x102: {  	[tilespmem:s22], [sflag:$0x2] =	stream.linear.gather [hbm4b:s25+s3], $0x80, $0x38;
	[tilespmem:$0x10780] =	vst v63  }
0x103: {  	s23 =	sadd.s32 $0x80, s23;
	s26 =	sadd.s32 s4, s26;
	s25 =	sshra.s32 s24, $0x2  }
0x104: {  	[tilespmem:s23], [sflag:$0x3] =	stream.linear.gather [hbm4b:s26+s3], $0x80, $0x38;
	[tilespmem:$0x10780] =	vst v63  }
0x105: {  	s24 =	sadd.s32 $0x4, s24;
	v0 =	vld [tilespmem:s25+$0x100]  }
0x106: {  	v1 =	vld [tilespmem:s25+$0x380]  }
0x107: {  	v2 =	vld [tilespmem:s25+$0x600];
	_ =	sdelay $0x2  }
0x108: {  	(v2sf) =	vpush v0, $0x0  }
0x109: {  	(v2sf) =	vpush v1, $0x0  }
0x10a: {  	(v2sf) =	vpush v2, $0x0;
	_ =	sdelay $0xc  }
0x10b: {  	s24 =	spop (v2sf)  }
0x10c: {  	s21 =	sadd.s32 $0x80, s21;
	s24 =	sshll.u32 s24, $0x4;
	s26 =	spop (v2sf)  }
0x10d: {  	s24 =	sand.u32 $0x1FFFFFF0, s24;
	s25 =	sshll.u32 s26, $0x4;
	s26 =	spop (v2sf)  }
0x10e: {  	s24 =	sadd.s32 s4, s24;
	s25 =	sand.u32 $0x1FFFFFF0, s25;
	s26 =	sshll.u32 s26, $0x4  }
0x10f: {  	[tilespmem:s21], [sflag:$0x1] =	stream.linear.gather [hbm4b:s24+s3], $0x80, $0x38;
	[tilespmem:$0x10780] =	vst v63  }
0x110: {  	s22 =	sadd.s32 $0x80, s22;
	s28 =	sadd.s32 s1, s25;
	s29 =	sand.u32 $0x1FFFFFF0, s26  }
0x111: {  	[tilespmem:s22], [sflag:$0x2] =	stream.linear.gather [hbm4b:s28+s3], $0x80, $0x38;
	[tilespmem:$0x10780] =	vst v63  }
0x112: {  	s31 =	sadd.s32 $0x80, s23;
	s30 =	sadd.s32 s4, s29  }
0x113: {  	[tilespmem:s31], [sflag:$0x3] =	stream.linear.gather [hbm4b:s30+s3], $0x80, $0x38;
	[tilespmem:$0x10780] =	vst v63  }
0x114: {  	_ =	swait.ge [sflag:s16], $0x4000  }
0x115: {  	[sflag:s16] =	ssyncset.done $0x0  }
0x116: {  	[sflag:s16] =	ssyncadd.s32 $0xFFFFC000  }
0x117: {  	_ =	swait.ge [sflag:s17], $0x4000  }
0x118: {  	[sflag:s17] =	ssyncset.done $0x0  }
0x119: {  	[sflag:s17] =	ssyncadd.s32 $0xFFFFC000  }
0x11a: {  	_ =	swait.ge [sflag:s18], $0x4000  }
0x11b: {  	[sflag:s18] =	ssyncset.done $0x0  }
0x11c: {  	s21 =	simm.s32 $0x0;
	[sflag:s18] =	ssyncadd.s32 $0xFFFFC000  }
0x11d: {  	v0 =	vld [tilespmem:s21+$0x7B0]  }
0x11e: {  	v1 =	vld [tilespmem:s21+$0x47B0]  }
0x11f: {  	v6 =	vld [tilespmem:s21+$0x780]  }
0x120: {  	v3 =	vld [tilespmem:s21+$0x87B0]  }
0x121: {  	v7 =	vld [tilespmem:s21+$0x4780]  }
0x122: {  	v8 =	vld [tilespmem:s21+$0x790]  }
0x123: {  	v9 =	vld [tilespmem:s21+$0x4790]  }
0x124: {  	v2 =	vld [tilespmem:s21+$0x47A0];
	v1 =	vadd.f32 v1, v0  }
0x125: {  	v0 =	vld [tilespmem:s21+$0x7A0]  }
0x126: {  	v5 =	vld [tilespmem:s21+$0x8780];
	v1 =	vadd.f32 v3, v1  }
0x127: {  	v3 =	vld [tilespmem:s21+$0x8790]  }
0x128: {  	s22 =	simm.s32 $0x80;
	v4 =	vld [tilespmem:s21+$0x87A0];
	[tilespmem:s21+$0xC7B0] =	vst v1  }
0x129: {  	s23 =	simm.s32 $0x400;
	v6 =	vadd.f32 v7, v6;
	v7 =	vadd.f32 v9, v8;
	v1 =	vld [tilespmem:s22+$0x7B0]  }
.LBB2_12:
0x12a: {  	p0 =	sne.s32 s23, $0xFE00;
	v8 =	vld [tilespmem:s22+$0x47B0];
	v0 =	vadd.f32 v2, v0  }
0x12b: {  	v9 =	vld [tilespmem:s22+$0x780];
	v2 =	vadd.f32 v5, v6  }
0x12c: {  	v5 =	vld [tilespmem:s22+$0x87B0];
	v3 =	vadd.f32 v3, v7  }
0x12d: {  	v6 =	vld [tilespmem:s22+$0x4780];
	[tilespmem:s21+$0xC780] =	vst v2;
	v0 =	vadd.f32 v4, v0  }
0x12e: {  	v4 =	vld [tilespmem:s22+$0x790];
	[tilespmem:s21+$0xC790] =	vst v3  }
0x12f: {  	v7 =	vld [tilespmem:s22+$0x4790];
	v1 =	vadd.f32 v8, v1;
	[tilespmem:s21+$0xC7A0] =	vst v0;
	s21 =	smov.u32 s22  }
0x130: {  	v0 =	vld [tilespmem:s21+$0x7A0]  }
.Ltmp5:
0x131: {  	v2 =	vld [tilespmem:s21+$0x47A0];
	v1 =	vadd.f32 v5, v1;
	(pc) =	sbr.rel @p0 .LBB2_12-.Ltmp5, $4  }
0x132: {  	v6 =	vadd.f32 v6, v9;
	v5 =	vld [tilespmem:s21+$0x8780]  }
0x133: {  	v3 =	vld [tilespmem:s21+$0x8790];
	[tilespmem:s21+$0xC7B0] =	vst v1  }
0x134: {  	s22 =	sshra.s32 s23, $0x2;
	v7 =	vadd.f32 v7, v4;
	v4 =	vld [tilespmem:s21+$0x87A0]  }
0x135: {  	s23 =	sadd.s32 $0x200, s23;
	v1 =	vld [tilespmem:s22+$0x7B0]  }
0x136: {  	v8 =	vld [tilespmem:s22+$0x47B0]  }
0x137: {  	v9 =	vld [tilespmem:s22+$0x780];
	v0 =	vadd.f32 v2, v0;
	v5 =	vadd.f32 v5, v6  }
0x138: {  	v60 =	vld [tilespmem:s22+$0x87B0];
	v2 =	vadd.f32 v3, v7  }
0x139: {  	v10 =	vld [tilespmem:s22+$0x4780];
	[tilespmem:s21+$0xC780] =	vst v5;
	v0 =	vadd.f32 v4, v0  }
0x13a: {  	v3 =	vld [tilespmem:s22+$0x790];
	[tilespmem:s21+$0xC790] =	vst v2  }
0x13b: {  	v2 =	vld [tilespmem:s22+$0x4790];
	[tilespmem:s21+$0xC7A0] =	vst v0  }
0x13c: {  	v0 =	vadd.f32 v8, v1;
	v1 =	vld [tilespmem:s22+$0x7A0]  }
0x13d: {  	v61 =	vld [tilespmem:s22+$0x47A0]  }
0x13e: {  	v5 =	vld [tilespmem:s22+$0x8780];
	v0 =	vadd.f32 v60, v0  }
0x13f: {  	v62 =	vld [tilespmem:s22+$0x8790]  }
0x140: {  	[tilespmem:s22+$0xC7B0] =	vst v0;
	v0 =	vld [tilespmem:s22+$0x87A0]  }
0x141: {  	v63 =	vadd.f32 v10, v9  }
0x142: {  	v2 =	vadd.f32 v2, v3  }
0x143: {  	v1 =	vadd.f32 v61, v1;
	v3 =	vadd.f32 v5, v63  }
0x144: {  	v2 =	vadd.f32 v62, v2  }
0x145: {  	[tilespmem:s22+$0xC780] =	vst v3;
	v0 =	vadd.f32 v0, v1  }
0x146: {  	[tilespmem:s22+$0xC790] =	vst v2  }
0x147: {  	s29 =	simm.s32 $0x0;
	[tilespmem:s22+$0xC7A0] =	vst v0  }
0x148: {  	[hbm4b:s10+s29] =	stream.linear.scatter [tilespmem:s19], [sflag:$0x4], $0x4000, $0x38;
	[tilespmem:$0x10780] =	vst v63  }
0x149: {  	_ =	swait.ge [sflag:s13], $0x4000  }
0x14a: {  	[sflag:s13] =	ssyncset.done $0x0  }
0x14b: {  	s30 =	simm.s32 $0x0;
	[sflag:s13] =	ssyncadd.s32 $0xFFFFC000  }
0x14c: {  	v0 =	vld [tilespmem:s30+$0x180]  }
0x14d: {  	v1 =	vld [tilespmem:s30+$0x400]  }
0x14e: {  	v2 =	vld [tilespmem:s30+$0x680];
	_ =	sdelay $0x2  }
0x14f: {  	(v2sf) =	vpush v0, $0x0  }
0x150: {  	(v2sf) =	vpush v1, $0x0  }
0x151: {  	(v2sf) =	vpush v2, $0x0;
	_ =	sdelay $0xc  }
0x152: {  	s31 =	spop (v2sf)  }
0x153: {  	s21 =	simm.s32 $0x780;
	s22 =	sshll.u32 s31, $0x4;
	s23 =	spop (v2sf)  }
0x154: {  	s22 =	sand.u32 $0x1FFFFFF0, s22;
	s23 =	sshll.u32 s23, $0x4;
	s24 =	spop (v2sf)  }
0x155: {  	s22 =	sadd.s32 s4, s22;
	s23 =	sand.u32 $0x1FFFFFF0, s23;
	s24 =	sshll.u32 s24, $0x4  }
0x156: {  	[tilespmem:s21], [sflag:$0x1] =	stream.linear.gather [hbm4b:s22+s3], $0x80, $0x38;
	[tilespmem:$0x10780] =	vst v63  }
0x157: {  	s22 =	simm.s32 $0x4780;
	s23 =	sadd.s32 s1, s23;
	s24 =	sand.u32 $0x1FFFFFF0, s24  }
0x158: {  	[tilespmem:s22], [sflag:$0x2] =	stream.linear.gather [hbm4b:s23+s3], $0x80, $0x38;
	[tilespmem:$0x10780] =	vst v63  }
0x159: {  	s25 =	simm.s32 $0x1;
	s24 =	sadd.s32 s4, s24;
	s23 =	simm.s32 $0x8780  }
0x15a: {  	[tilespmem:s23], [sflag:$0x3] =	stream.linear.gather [hbm4b:s24+s3], $0x80, $0x38;
	[tilespmem:$0x10780] =	vst v63  }
0x15b: {  	s24 =	simm.s32 $0x8;
	v0 =	vld [tilespmem:s25+$0x180]  }
.LBB2_14:
0x15c: {  	p0 =	sne.s32 s24, $0x1FC;
	v1 =	vld [tilespmem:s25+$0x400]  }
0x15d: {  	v2 =	vld [tilespmem:s25+$0x680];
	_ =	sdelay $0x2  }
0x15e: {  	(v2sf) =	vpush v0, $0x0  }
0x15f: {  	(v2sf) =	vpush v1, $0x0  }
0x160: {  	(v2sf) =	vpush v2, $0x0;
	_ =	sdelay $0xc  }
0x161: {  	s21 =	sadd.s32 $0x80, s21;
	s25 =	spop (v2sf)  }
0x162: {  	s22 =	sadd.s32 $0x80, s22;
	s25 =	sshll.u32 s25, $0x4;
	s26 =	spop (v2sf)  }
0x163: {  	s25 =	sand.u32 $0x1FFFFFF0, s25;
	s26 =	sshll.u32 s26, $0x4;
	s28 =	spop (v2sf)  }
0x164: {  	s25 =	sadd.s32 s4, s25;
	s26 =	sand.u32 $0x1FFFFFF0, s26;
	s28 =	sshll.u32 s28, $0x4  }
0x165: {  	[tilespmem:s21], [sflag:$0x1] =	stream.linear.gather [hbm4b:s25+s3], $0x80, $0x38;
	[tilespmem:$0x10780] =	vst v63  }
.Ltmp6:
0x166: {  	s25 =	sadd.s32 s1, s26;
	s26 =	sand.u32 $0x1FFFFFF0, s28;
	(pc) =	sbr.rel @p0 .LBB2_14-.Ltmp6, $4  }
0x167: {  	[tilespmem:s22], [sflag:$0x2] =	stream.linear.gather [hbm4b:s25+s3], $0x80, $0x38;
	[tilespmem:$0x10780] =	vst v63  }
0x168: {  	s23 =	sadd.s32 $0x80, s23;
	s26 =	sadd.s32 s4, s26;
	s25 =	sshra.s32 s24, $0x2  }
0x169: {  	[tilespmem:s23], [sflag:$0x3] =	stream.linear.gather [hbm4b:s26+s3], $0x80, $0x38;
	[tilespmem:$0x10780] =	vst v63  }
0x16a: {  	s24 =	sadd.s32 $0x4, s24;
	v0 =	vld [tilespmem:s25+$0x180]  }
0x16b: {  	v1 =	vld [tilespmem:s25+$0x400]  }
0x16c: {  	v2 =	vld [tilespmem:s25+$0x680];
	_ =	sdelay $0x2  }
0x16d: {  	(v2sf) =	vpush v0, $0x0  }
0x16e: {  	(v2sf) =	vpush v1, $0x0  }
0x16f: {  	(v2sf) =	vpush v2, $0x0;
	_ =	sdelay $0xc  }
0x170: {  	s24 =	spop (v2sf)  }
0x171: {  	s21 =	sadd.s32 $0x80, s21;
	s24 =	sshll.u32 s24, $0x4;
	s26 =	spop (v2sf)  }
0x172: {  	s24 =	sand.u32 $0x1FFFFFF0, s24;
	s25 =	sshll.u32 s26, $0x4;
	s26 =	spop (v2sf)  }
0x173: {  	s24 =	sadd.s32 s4, s24;
	s25 =	sand.u32 $0x1FFFFFF0, s25;
	s26 =	sshll.u32 s26, $0x4  }
0x174: {  	[tilespmem:s21], [sflag:$0x1] =	stream.linear.gather [hbm4b:s24+s3], $0x80, $0x38;
	[tilespmem:$0x10780] =	vst v63  }
0x175: {  	s22 =	sadd.s32 $0x80, s22;
	s28 =	sadd.s32 s1, s25;
	s29 =	sand.u32 $0x1FFFFFF0, s26  }
0x176: {  	[tilespmem:s22], [sflag:$0x2] =	stream.linear.gather [hbm4b:s28+s3], $0x80, $0x38;
	[tilespmem:$0x10780] =	vst v63  }
0x177: {  	s31 =	sadd.s32 $0x80, s23;
	s30 =	sadd.s32 s4, s29  }
0x178: {  	[tilespmem:s31], [sflag:$0x3] =	stream.linear.gather [hbm4b:s30+s3], $0x80, $0x38;
	[tilespmem:$0x10780] =	vst v63  }
0x179: {  	_ =	swait.ge [sflag:s16], $0x4000  }
0x17a: {  	[sflag:s16] =	ssyncset.done $0x0  }
0x17b: {  	[sflag:s16] =	ssyncadd.s32 $0xFFFFC000  }
0x17c: {  	_ =	swait.ge [sflag:s17], $0x4000  }
0x17d: {  	[sflag:s17] =	ssyncset.done $0x0  }
0x17e: {  	[sflag:s17] =	ssyncadd.s32 $0xFFFFC000  }
0x17f: {  	_ =	swait.ge [sflag:s18], $0x4000  }
0x180: {  	[sflag:s18] =	ssyncset.done $0x0  }
0x181: {  	s21 =	simm.s32 $0x0;
	[sflag:s18] =	ssyncadd.s32 $0xFFFFC000  }
0x182: {  	v0 =	vld [tilespmem:s21+$0x7B0]  }
0x183: {  	v1 =	vld [tilespmem:s21+$0x47B0]  }
0x184: {  	v6 =	vld [tilespmem:s21+$0x780]  }
0x185: {  	v3 =	vld [tilespmem:s21+$0x87B0]  }
0x186: {  	v7 =	vld [tilespmem:s21+$0x4780]  }
0x187: {  	v8 =	vld [tilespmem:s21+$0x790]  }
0x188: {  	v9 =	vld [tilespmem:s21+$0x4790]  }
0x189: {  	v2 =	vld [tilespmem:s21+$0x47A0];
	v1 =	vadd.f32 v1, v0  }
0x18a: {  	v0 =	vld [tilespmem:s21+$0x7A0]  }
0x18b: {  	v5 =	vld [tilespmem:s21+$0x8780];
	v1 =	vadd.f32 v3, v1  }
0x18c: {  	v3 =	vld [tilespmem:s21+$0x8790]  }
0x18d: {  	s22 =	simm.s32 $0x80;
	v4 =	vld [tilespmem:s21+$0x87A0];
	[tilespmem:s21+$0xC7B0] =	vst v1  }
0x18e: {  	s23 =	simm.s32 $0x400;
	v6 =	vadd.f32 v7, v6;
	v7 =	vadd.f32 v9, v8;
	v1 =	vld [tilespmem:s22+$0x7B0]  }
.LBB2_16:
0x18f: {  	p0 =	sne.s32 s23, $0xFE00;
	v8 =	vld [tilespmem:s22+$0x47B0];
	v0 =	vadd.f32 v2, v0  }
0x190: {  	v9 =	vld [tilespmem:s22+$0x780];
	v2 =	vadd.f32 v5, v6  }
0x191: {  	v5 =	vld [tilespmem:s22+$0x87B0];
	v3 =	vadd.f32 v3, v7  }
0x192: {  	v6 =	vld [tilespmem:s22+$0x4780];
	[tilespmem:s21+$0xC780] =	vst v2;
	v0 =	vadd.f32 v4, v0  }
0x193: {  	v4 =	vld [tilespmem:s22+$0x790];
	[tilespmem:s21+$0xC790] =	vst v3  }
0x194: {  	v7 =	vld [tilespmem:s22+$0x4790];
	v1 =	vadd.f32 v8, v1;
	[tilespmem:s21+$0xC7A0] =	vst v0;
	s21 =	smov.u32 s22  }
0x195: {  	v0 =	vld [tilespmem:s21+$0x7A0]  }
.Ltmp7:
0x196: {  	v2 =	vld [tilespmem:s21+$0x47A0];
	v1 =	vadd.f32 v5, v1;
	(pc) =	sbr.rel @p0 .LBB2_16-.Ltmp7, $4  }
0x197: {  	v6 =	vadd.f32 v6, v9;
	v5 =	vld [tilespmem:s21+$0x8780]  }
0x198: {  	v3 =	vld [tilespmem:s21+$0x8790];
	[tilespmem:s21+$0xC7B0] =	vst v1  }
0x199: {  	s22 =	sshra.s32 s23, $0x2;
	v7 =	vadd.f32 v7, v4;
	v4 =	vld [tilespmem:s21+$0x87A0]  }
0x19a: {  	s23 =	sadd.s32 $0x200, s23;
	v1 =	vld [tilespmem:s22+$0x7B0]  }
0x19b: {  	v8 =	vld [tilespmem:s22+$0x47B0]  }
0x19c: {  	v9 =	vld [tilespmem:s22+$0x780];
	v0 =	vadd.f32 v2, v0;
	v5 =	vadd.f32 v5, v6  }
0x19d: {  	v54 =	vld [tilespmem:s22+$0x87B0];
	v55 =	vadd.f32 v3, v7  }
0x19e: {  	v10 =	vld [tilespmem:s22+$0x4780];
	[tilespmem:s21+$0xC780] =	vst v5;
	v0 =	vadd.f32 v4, v0  }
0x19f: {  	v56 =	vld [tilespmem:s22+$0x790];
	[tilespmem:s21+$0xC790] =	vst v55  }
0x1a0: {  	v2 =	vld [tilespmem:s22+$0x4790];
	[tilespmem:s21+$0xC7A0] =	vst v0  }
0x1a1: {  	v58 =	vld [tilespmem:s22+$0x7A0]  }
0x1a2: {  	v59 =	vld [tilespmem:s22+$0x47A0]  }
0x1a3: {  	v5 =	vld [tilespmem:s22+$0x8780]  }
0x1a4: {  	v60 =	vld [tilespmem:s22+$0x8790]  }
0x1a5: {  	v57 =	vadd.f32 v8, v1;
	v61 =	vld [tilespmem:s22+$0x87A0]  }
0x1a6: {  	v62 =	vadd.f32 v10, v9  }
0x1a7: {  	v0 =	vadd.f32 v54, v57;
	v2 =	vadd.f32 v2, v56  }
0x1a8: {  	v1 =	vadd.f32 v59, v58;
	v63 =	vadd.f32 v5, v62  }
0x1a9: {  	[tilespmem:s22+$0xC7B0] =	vst v0;
	v2 =	vadd.f32 v60, v2  }
0x1aa: {  	s20 =	sadd.s32 $0x1, s20;
	[tilespmem:s22+$0xC780] =	vst v63;
	v0 =	vadd.f32 v61, v1  }
0x1ab: {  	p0 =	sne.s32 s20, s12;
	[tilespmem:s22+$0xC790] =	vst v2  }
.Ltmp8:
0x1ac: {  	[tilespmem:s22+$0xC7A0] =	vst v0;
	(pc) =	sbr.rel @p0 .LBB2_1-.Ltmp8, $4  }
0x1ad: {  	[hbm4b:s11+s3] =	stream.linear.scatter [tilespmem:s19], [sflag:$0x4], $0x4000, $0x38;
	[tilespmem:$0x10780] =	vst v63  }
0x1ae: {  	_ =	swait.ge [sflag:s13], $0x4000  }
0x1af: {  	[sflag:s13] =	ssyncset.done $0x0  }
0x1b0: {  	[sflag:s13] =	ssyncadd.s32 $0xFFFFC000  }
0x1b1: {  	_ =	sfence.sel $0x180000  }
0x1b2: {  	[bflag:$0x0] =	sbarrier.arrive $0xFFFF  }
0x1b3: {  	p0 =	sne.s32 s2, $0x0;
	_ =	strace $0x90000047  }
0x1b4: {  	s0 =	sadd.s32 @!p0 $0x100000, s0;
	[bflag:$0x2] =	sbarrier.arrive $0xFFFF  }
0x1b5: {  	[sflag:s0] =	ssyncadd.tile.s32 @!p0 $0x1;
	_ =	shalt  }
.Lfunc_end2:
_tile_overlayer_lowered:
.L_overlay_start_2:
0x1b6: {  	(tag) =	ssettag $0x2  }
0x1b7: {  	s0 =	rddreg [dreg:$0x0];
	s2 =	stileid.u32  }
0x1b8: {  	s1 =	rddreg [dreg:$0x1];
	p0 =	sne.s32 s2, $0x0  }
0x1b9: {  	s3 =	rddreg [dreg:$0x2];
	[bflag:$0x3] =	sbarrier.arrive $0xFFFF;
	s2 =	simm.s32 @!p0 $0x1C04  }
0x1ba: {  	[timem:s3], [sflag:s2] =	dma.local @!p0 [hbm:s0], s1  }
0x1bb: {  	s0 =	simm.s32 @!p0 $0x4  }
0x1bc: {  	_ =	swait.ge @!p0 [sflag:s0], s1  }
0x1bd: {  	s1 =	ssub.s32 @!p0 $0x0, s1;
	[sflag:s0] =	ssyncset.done @!p0 $0x0  }
0x1be: {  	[sflag:s0] =	ssyncadd.s32 @!p0 s1  }
0x1bf: {  	[bflag:$0x3] =	sbarrier.arrive $0xFFFF  }
0x1c0: {  	_ =	shalt  }

</sc_bundles>
